<compile_context>
chip_gen: v7x
topology: tpu7x:2x2x1
jax: 0.10.2.dev20260603
libtpu: 0.0.44.dev20260713+nightly
codegen_flags: <defaults>
</compile_context>

<pallas_src>
import functools

import jax
import jax.numpy as jnp
from jax import lax
from jax.experimental import pallas as pl
from jax.experimental.pallas import tpu as pltpu
from jax.experimental.pallas import tpu_sc as plsc

_K = 20
_EPS = 1e-5
_SLOPE = 0.2
_NEG = -3.0e38


def _topk_kernel(xt_rows_ref, x_full_ref, w1t_ref, wd_ref,
                 idx_ref, gt_ref, ht_ref):
    b = pl.program_id(0)

    x_b = x_full_ref[0]
    rows = xt_rows_ref[0]
    R = rows.shape[0]
    N = x_b.shape[1]

    d2 = lax.dot_general(rows, x_b, (((1,), (0,)), ((), ())),
                         preferred_element_type=jnp.float32)
    xxr = jnp.sum(rows * rows, axis=1, keepdims=True)
    xxc = jnp.sum(x_b * x_b, axis=0, keepdims=True)
    negd = 2.0 * d2 - xxr - xxc

    Nh = N // 2
    lft = negd[:, :Nh]
    rgt = negd[:, Nh:]
    swap = rgt > lft
    H = jnp.where(swap, rgt, lft)
    H2 = jnp.where(swap, lft, rgt)
    laneh = lax.broadcasted_iota(jnp.int32, (R, Nh), 1)
    GL = jnp.where(swap, laneh + Nh, laneh)
    GL2 = jnp.where(swap, laneh, laneh + Nh)

    ams = []
    for _ in range(_K):
        m = jnp.max(H, axis=1, keepdims=True)
        cand = jnp.where(H == m, GL, N)
        am = jnp.min(cand, axis=1, keepdims=True)
        ams.append(am)
        eqp = laneh == (am & (Nh - 1))
        H = jnp.where(eqp, H2, H)
        GL = jnp.where(eqp, GL2, GL)
        H2 = jnp.where(eqp, _NEG, H2)

    idx_tile = jnp.concatenate(ams, axis=1) + b * N
    idx_ref[...] = idx_tile[None]

    gt_ref[...] = lax.dot_general(rows, w1t_ref[...], (((1,), (0,)), ((), ())),
                                  preferred_element_type=jnp.float32)[None]
    ht_ref[...] = lax.dot_general(rows, wd_ref[...], (((1,), (0,)), ((), ())),
                                  preferred_element_type=jnp.float32)[None]


def _bn_kernel(pmax_ref, pmin_ref, scale_ref, shift_ref, out_ref):
    scale = scale_ref[...]
    shift = shift_ref[...]
    pick = jnp.where(scale >= 0.0, pmax_ref[0], pmin_ref[0])
    z = pick * scale + shift
    out_ref[...] = jnp.where(z >= 0.0, z, _SLOPE * z)[None]


def _make_gather_reduce(P, Co, NC, NS):
    NW = NC * NS
    PTS_W = P // NW
    CH = 64
    NCH = PTS_W // CH
    ROWS = CH * _K
    IDXR = ROWS // 128
    WIDXR = PTS_W * _K // 128
    CSL = Co // 16

    mesh = plsc.VectorSubcoreMesh(core_axis_name="c", subcore_axis_name="s")

    @functools.partial(
        pl.kernel, mesh=mesh,
        compiler_params=pltpu.CompilerParams(use_tc_tiling_on_sc=False),
        out_type=[
            jax.ShapeDtypeStruct((P, Co), jnp.float32),
            jax.ShapeDtypeStruct((P, Co), jnp.float32),
            jax.ShapeDtypeStruct((NW, CSL, 16), jnp.float32),
            jax.ShapeDtypeStruct((NW, CSL, 16), jnp.float32),
        ],
        scratch_types=[
            pltpu.VMEM((WIDXR, 128), jnp.int32),
            pltpu.VMEM((ROWS, Co), jnp.float32),
            pltpu.VMEM((CH, Co), jnp.float32),
            pltpu.VMEM((CH, Co), jnp.float32),
            pltpu.VMEM((CH, Co), jnp.float32),
            pltpu.VMEM((CSL, 16), jnp.float32),
            pltpu.VMEM((CSL, 16), jnp.float32),
            pltpu.SemaphoreType.DMA,
        ],
    )
    def gather_reduce(gall, idx2d, htf, pmax, pmin, spart, qpart,
                      idxv, rowsv, htv, obmax, obmin, sacc, qacc, sem):
        wid = lax.axis_index("s") * NC + lax.axis_index("c")
        for c in range(CSL):
            sacc[c] = jnp.zeros((16,), jnp.float32)
            qacc[c] = jnp.zeros((16,), jnp.float32)
        pltpu.sync_copy(idx2d.at[pl.ds(wid * WIDXR, WIDXR)], idxv)

        def chunk_body(ch, carry):
            p0 = wid * PTS_W + ch * CH
            pltpu.sync_copy(htf.at[pl.ds(p0, CH)], htv)
            handles = [
                pltpu.async_copy(gall.at[idxv.at[ch * IDXR + r]],
                                 rowsv.at[pl.ds(r * 128, 128)], sem)
                for r in range(IDXR)
            ]
            for h in handles:
                h.wait()

            def point_body(p, carry2):
                base = p * _K
                for c in range(CSL):
                    sl = pl.ds(c * 16, 16)
                    v0 = rowsv[base, sl]

                    def jbody(j, acc):
                        mx, mn, sm, sq = acc
                        v = rowsv[base + j, sl]
                        return (jnp.maximum(mx, v), jnp.minimum(mn, v),
                                sm + v, sq + v * v)

                    mx, mn, sm, sq = lax.fori_loop(
                        1, _K, jbody, (v0, v0, v0, v0 * v0))
                    hv = htv[p, sl]
                    obmax[p, sl] = mx + hv
                    obmin[p, sl] = mn + hv
                    sacc[c] = sacc[c] + sm + float(_K) * hv
                    qacc[c] = qacc[c] + sq + 2.0 * hv * sm \
                        + float(_K) * hv * hv
                return carry2

            lax.fori_loop(0, CH, point_body, 0)
            pltpu.sync_copy(obmax, pmax.at[pl.ds(p0, CH)])
            pltpu.sync_copy(obmin, pmin.at[pl.ds(p0, CH)])
            return carry

        lax.fori_loop(0, NCH, chunk_body, 0)
        pltpu.sync_copy(sacc, spart.at[wid])
        pltpu.sync_copy(qacc, qpart.at[wid])

    return gather_reduce


@jax.jit
def kernel(x, W, gamma, beta):
    B, C, N = x.shape
    Co = W.shape[0]
    R = 256
    T = N // R
    P = B * N

    xt = jnp.transpose(x, (0, 2, 1))
    w1t = jnp.transpose(W[:, :C])
    wd = jnp.transpose(W[:, C:] - W[:, :C])

    idxout, gtout, htout = pl.pallas_call(
        _topk_kernel,
        grid=(B, T),
        in_specs=[
            pl.BlockSpec((1, R, C), lambda b, t: (b, t, 0)),
            pl.BlockSpec((1, C, N), lambda b, t: (b, 0, 0)),
            pl.BlockSpec((C, Co), lambda b, t: (0, 0)),
            pl.BlockSpec((C, Co), lambda b, t: (0, 0)),
        ],
        out_specs=[
            pl.BlockSpec((1, R, _K), lambda b, t: (b, t, 0)),
            pl.BlockSpec((1, R, Co), lambda b, t: (b, t, 0)),
            pl.BlockSpec((1, R, Co), lambda b, t: (b, t, 0)),
        ],
        out_shape=[
            jax.ShapeDtypeStruct((B, N, _K), jnp.int32),
            jax.ShapeDtypeStruct((B, N, Co), jnp.float32),
            jax.ShapeDtypeStruct((B, N, Co), jnp.float32),
        ],
    )(xt, x, w1t, wd)

    info = plsc.get_sparse_core_info()
    NC, NS = info.num_cores, info.num_subcores

    gall = gtout.reshape(P, Co)
    htf = htout.reshape(P, Co)
    idx2d = idxout.reshape(P * _K // 128, 128)

    pmaxf, pminf, spart, qpart = _make_gather_reduce(P, Co, NC, NS)(
        gall, idx2d, htf)

    cnt = jnp.float32(P * _K)
    S = jnp.sum(spart, axis=0).reshape(Co)
    Q = jnp.sum(qpart, axis=0).reshape(Co)
    mean = S / cnt
    var = Q / cnt - mean * mean
    scale = gamma / jnp.sqrt(var + _EPS)
    shift = beta - scale * mean

    out_nc = pl.pallas_call(
        _bn_kernel,
        grid=(B,),
        in_specs=[
            pl.BlockSpec((1, N, Co), lambda b: (b, 0, 0)),
            pl.BlockSpec((1, N, Co), lambda b: (b, 0, 0)),
            pl.BlockSpec((1, Co), lambda b: (0, 0)),
            pl.BlockSpec((1, Co), lambda b: (0, 0)),
        ],
        out_specs=pl.BlockSpec((1, N, Co), lambda b: (b, 0, 0)),
        out_shape=jax.ShapeDtypeStruct((B, N, Co), jnp.float32),
    )(pmaxf.reshape(B, N, Co), pminf.reshape(B, N, Co),
      scale[None], shift[None])

    return jnp.transpose(out_nc, (0, 2, 1))

# --- scband reference (transcript-rebuilt; emitter-appended) ---
"""Pipeline reference for scband-dgcnnblock-41274635714770 (READ-ONLY COPY).

The authoritative reference and input builder live on the scoring server;
editing this copy changes nothing except your own understanding.
"""

import jax, jax.numpy as jnp
import numpy as np

K_POINT = 20
BN_EPS = 1e-5
NEG_SLOPE = 0.2


def setup_inputs(seed: int = 0) -> dict:
    key = jax.random.key(seed)
    k1, k2 = jax.random.split(key)
    # x: [batch, d_feature, n_point]
    x = jax.random.normal(k1, (8, 32, 2048), dtype=jnp.float32)
    # Conv2d 1x1, bias=False: weight [d_out, d_in] with d_in = 2 * d_feature
    W = jax.random.normal(k2, (64, 64), dtype=jnp.float32) * 0.05
    # BatchNorm2d affine params (torch init: weight=1, bias=0)
    gamma = jnp.ones((64,), dtype=jnp.float32)
    beta = jnp.zeros((64,), dtype=jnp.float32)
    return {"x": x, "W": W, "gamma": gamma, "beta": beta}


def _knn_idx(f, k):
    # f: [B, N, d] -> indices of k nearest neighbors (including self), [B, N, k]
    inner = -2.0 * jnp.einsum('bnd,bmd->bnm', f, f)
    xx = jnp.sum(f * f, axis=-1)
    neg_dist = -xx[:, :, None] - inner - xx[:, None, :]
    _, idx = jax.lax.top_k(neg_dist, k)
    return idx


def _get_graph_feature(x, k):
    # x: [B, C, N] -> [B, 2C, N, k]
    f = jnp.transpose(x, (0, 2, 1))  # [B, N, C]
    idx = _knn_idx(f, k)             # [B, N, k]
    # index_points: feature_ne[b, n, j, :] = f[b, idx[b, n, j], :]
    f_ne = jax.vmap(lambda fb, ib: fb[ib])(f, idx)          # [B, N, k, C]
    center = jnp.broadcast_to(f[:, :, None, :], f_ne.shape)  # [B, N, k, C]
    feat = jnp.concatenate([f_ne - center, center], axis=-1)  # [B, N, k, 2C]
    feat = jnp.transpose(feat, (0, 3, 1, 2))                   # [B, 2C, N, k]
    return feat


def _forward(x, W, gamma, beta):
    feat = _get_graph_feature(x, K_POINT)              # [B, 2C, N, k]
    y = jnp.einsum('oc,bcnk->bonk', W, feat)           # Conv2d 1x1, no bias
    # BatchNorm2d, training-mode batch statistics over (B, N, k)
    mean = jnp.mean(y, axis=(0, 2, 3), keepdims=True)
    var = jnp.var(y, axis=(0, 2, 3), keepdims=True)
    y = (y - mean) / jnp.sqrt(var + BN_EPS)
    y = y * gamma[None, :, None, None] + beta[None, :, None, None]
    # LeakyReLU(0.2)
    y = jnp.where(y >= 0, y, NEG_SLOPE * y)
    # PointMaxPool over k dim
    out = jnp.max(y, axis=-1)                          # [B, d_out, N]
    return out


def reference(x, W, gamma, beta):
    return _forward(x, W, gamma, beta)

if __name__ == "__main__":
    import jax
    _d = setup_inputs()
    print(jax.jit(kernel)(*tuple(_d.values())))

</pallas_src>

<mosaic_0001>
#map = affine_map<(d0, d1) -> (0, 0)>
#map1 = affine_map<(d0, d1) -> (0, 0, 0)>
module attributes {stable_mosaic.version = 14 : i64} {
  func.func @gather_reduce(%arg0: i32, %arg1: i32, %arg2: memref<16384x64xf32, #tpu.memory_space<hbm>>, %arg3: memref<2560x128xi32, #tpu.memory_space<hbm>>, %arg4: memref<16384x64xf32, #tpu.memory_space<hbm>>, %arg5: memref<16384x64xf32, #tpu.memory_space<hbm>>, %arg6: memref<16384x64xf32, #tpu.memory_space<hbm>>, %arg7: memref<32x4x16xf32, #tpu.memory_space<hbm>>, %arg8: memref<32x4x16xf32, #tpu.memory_space<hbm>>, %arg9: memref<80x128xi32, #tpu.memory_space<vmem>>, %arg10: memref<1280x64xf32, #tpu.memory_space<vmem>>, %arg11: memref<64x64xf32, #tpu.memory_space<vmem>>, %arg12: memref<64x64xf32, #tpu.memory_space<vmem>>, %arg13: memref<64x64xf32, #tpu.memory_space<vmem>>, %arg14: memref<4x16xf32, #tpu.memory_space<vmem>>, %arg15: memref<4x16xf32, #tpu.memory_space<vmem>>, %arg16: memref<!tpu.dma_semaphore, #tpu.memory_space<semaphore_mem>>) attributes {dimension_semantics = [#tpu.dimension_semantics<core_parallel>, #tpu.dimension_semantics<subcore_parallel>], iteration_bounds = array<i64: 2, 16>, scalar_prefetch = 0 : i64, scratch_operands = 8 : i64, tpu.core_type = #tpu.core_type<sc_vector_subcore>, window_params = [{transform_indices = #map}, {transform_indices = #map}, {transform_indices = #map}, {transform_indices = #map}, {transform_indices = #map}, {transform_indices = #map1}, {transform_indices = #map1}]} {
    %mul3A = arith.constant 2 : i32
    %mul3A_0 = arith.muli %arg1, %mul3A : i32
    %add3A = arith.addi %mul3A_0, %arg0 : i32
    %broadcast_in_dim3A = arith.constant 0.000000e+00 : f32
    %broadcast_in_dim3A_1 = vector.broadcast %broadcast_in_dim3A : f32 to vector<16xf32>
    %swap3A = arith.constant 0 : i32
    %swap3A_2 = arith.index_cast %swap3A : i32 to index
    %swap3A_3 = arith.constant 0 : index
    %swap3A_4 = tpu.vector_load %arg14[%swap3A_2, %swap3A_3] {strides = array<i32>} : memref<4x16xf32, #tpu.memory_space<vmem>>, vector<1x16xf32>,
    %swap3A_5 = vector.shape_cast %swap3A_4 : vector<1x16xf32> to vector<16xf32>
    %swap3A_6 = vector.shape_cast %broadcast_in_dim3A_1 : vector<16xf32> to vector<1x16xf32>
    tpu.vector_store %arg14[%swap3A_2, %swap3A_3], %swap3A_6 {strides = array<i32>} : memref<4x16xf32, #tpu.memory_space<vmem>>, vector<1x16xf32>,
    %broadcast_in_dim3A_7 = arith.constant 0.000000e+00 : f32
    %broadcast_in_dim3A_8 = vector.broadcast %broadcast_in_dim3A_7 : f32 to vector<16xf32>
    %swap3A_9 = arith.constant 0 : i32
    %swap3A_10 = arith.index_cast %swap3A_9 : i32 to index
    %swap3A_11 = arith.constant 0 : index
    %swap3A_12 = tpu.vector_load %arg15[%swap3A_10, %swap3A_11] {strides = array<i32>} : memref<4x16xf32, #tpu.memory_space<vmem>>, vector<1x16xf32>,
    %swap3A_13 = vector.shape_cast %swap3A_12 : vector<1x16xf32> to vector<16xf32>
    %swap3A_14 = vector.shape_cast %broadcast_in_dim3A_8 : vector<16xf32> to vector<1x16xf32>
    tpu.vector_store %arg15[%swap3A_10, %swap3A_11], %swap3A_14 {strides = array<i32>} : memref<4x16xf32, #tpu.memory_space<vmem>>, vector<1x16xf32>,
    %broadcast_in_dim3A_15 = arith.constant 0.000000e+00 : f32
    %broadcast_in_dim3A_16 = vector.broadcast %broadcast_in_dim3A_15 : f32 to vector<16xf32>
    %swap3A_17 = arith.constant 1 : i32
    %swap3A_18 = arith.index_cast %swap3A_17 : i32 to index
    %swap3A_19 = arith.constant 0 : index
    %swap3A_20 = tpu.vector_load %arg14[%swap3A_18, %swap3A_19] {strides = array<i32>} : memref<4x16xf32, #tpu.memory_space<vmem>>, vector<1x16xf32>,
    %swap3A_21 = vector.shape_cast %swap3A_20 : vector<1x16xf32> to vector<16xf32>
    %swap3A_22 = vector.shape_cast %broadcast_in_dim3A_16 : vector<16xf32> to vector<1x16xf32>
    tpu.vector_store %arg14[%swap3A_18, %swap3A_19], %swap3A_22 {strides = array<i32>} : memref<4x16xf32, #tpu.memory_space<vmem>>, vector<1x16xf32>,
    %broadcast_in_dim3A_23 = arith.constant 0.000000e+00 : f32
    %broadcast_in_dim3A_24 = vector.broadcast %broadcast_in_dim3A_23 : f32 to vector<16xf32>
    %swap3A_25 = arith.constant 1 : i32
    %swap3A_26 = arith.index_cast %swap3A_25 : i32 to index
    %swap3A_27 = arith.constant 0 : index
    %swap3A_28 = tpu.vector_load %arg15[%swap3A_26, %swap3A_27] {strides = array<i32>} : memref<4x16xf32, #tpu.memory_space<vmem>>, vector<1x16xf32>,
    %swap3A_29 = vector.shape_cast %swap3A_28 : vector<1x16xf32> to vector<16xf32>
    %swap3A_30 = vector.shape_cast %broadcast_in_dim3A_24 : vector<16xf32> to vector<1x16xf32>
    tpu.vector_store %arg15[%swap3A_26, %swap3A_27], %swap3A_30 {strides = array<i32>} : memref<4x16xf32, #tpu.memory_space<vmem>>, vector<1x16xf32>,
    %broadcast_in_dim3A_31 = arith.constant 0.000000e+00 : f32
    %broadcast_in_dim3A_32 = vector.broadcast %broadcast_in_dim3A_31 : f32 to vector<16xf32>
    %swap3A_33 = arith.constant 2 : i32
    %swap3A_34 = arith.index_cast %swap3A_33 : i32 to index
    %swap3A_35 = arith.constant 0 : index
    %swap3A_36 = tpu.vector_load %arg14[%swap3A_34, %swap3A_35] {strides = array<i32>} : memref<4x16xf32, #tpu.memory_space<vmem>>, vector<1x16xf32>,
    %swap3A_37 = vector.shape_cast %swap3A_36 : vector<1x16xf32> to vector<16xf32>
    %swap3A_38 = vector.shape_cast %broadcast_in_dim3A_32 : vector<16xf32> to vector<1x16xf32>
    tpu.vector_store %arg14[%swap3A_34, %swap3A_35], %swap3A_38 {strides = array<i32>} : memref<4x16xf32, #tpu.memory_space<vmem>>, vector<1x16xf32>,
    %broadcast_in_dim3A_39 = arith.constant 0.000000e+00 : f32
    %broadcast_in_dim3A_40 = vector.broadcast %broadcast_in_dim3A_39 : f32 to vector<16xf32>
    %swap3A_41 = arith.constant 2 : i32
    %swap3A_42 = arith.index_cast %swap3A_41 : i32 to index
    %swap3A_43 = arith.constant 0 : index
    %swap3A_44 = tpu.vector_load %arg15[%swap3A_42, %swap3A_43] {strides = array<i32>} : memref<4x16xf32, #tpu.memory_space<vmem>>, vector<1x16xf32>,
    %swap3A_45 = vector.shape_cast %swap3A_44 : vector<1x16xf32> to vector<16xf32>
    %swap3A_46 = vector.shape_cast %broadcast_in_dim3A_40 : vector<16xf32> to vector<1x16xf32>
    tpu.vector_store %arg15[%swap3A_42, %swap3A_43], %swap3A_46 {strides = array<i32>} : memref<4x16xf32, #tpu.memory_space<vmem>>, vector<1x16xf32>,
    %broadcast_in_dim3A_47 = arith.constant 0.000000e+00 : f32
    %broadcast_in_dim3A_48 = vector.broadcast %broadcast_in_dim3A_47 : f32 to vector<16xf32>
    %swap3A_49 = arith.constant 3 : i32
    %swap3A_50 = arith.index_cast %swap3A_49 : i32 to index
    %swap3A_51 = arith.constant 0 : index
    %swap3A_52 = tpu.vector_load %arg14[%swap3A_50, %swap3A_51] {strides = array<i32>} : memref<4x16xf32, #tpu.memory_space<vmem>>, vector<1x16xf32>,
    %swap3A_53 = vector.shape_cast %swap3A_52 : vector<1x16xf32> to vector<16xf32>
    %swap3A_54 = vector.shape_cast %broadcast_in_dim3A_48 : vector<16xf32> to vector<1x16xf32>
    tpu.vector_store %arg14[%swap3A_50, %swap3A_51], %swap3A_54 {strides = array<i32>} : memref<4x16xf32, #tpu.memory_space<vmem>>, vector<1x16xf32>,
    %broadcast_in_dim3A_55 = arith.constant 0.000000e+00 : f32
    %broadcast_in_dim3A_56 = vector.broadcast %broadcast_in_dim3A_55 : f32 to vector<16xf32>
    %swap3A_57 = arith.constant 3 : i32
    %swap3A_58 = arith.index_cast %swap3A_57 : i32 to index
    %swap3A_59 = arith.constant 0 : index
    %swap3A_60 = tpu.vector_load %arg15[%swap3A_58, %swap3A_59] {strides = array<i32>} : memref<4x16xf32, #tpu.memory_space<vmem>>, vector<1x16xf32>,
    %swap3A_61 = vector.shape_cast %swap3A_60 : vector<1x16xf32> to vector<16xf32>
    %swap3A_62 = vector.shape_cast %broadcast_in_dim3A_56 : vector<16xf32> to vector<1x16xf32>
    tpu.vector_store %arg15[%swap3A_58, %swap3A_59], %swap3A_62 {strides = array<i32>} : memref<4x16xf32, #tpu.memory_space<vmem>>, vector<1x16xf32>,
    %mul3A_63 = arith.constant 80 : i32
    %mul3A_64 = arith.muli %add3A, %mul3A_63 : i32
    "tpu.region"() ({
      %run_scoped3A = tpu.sem_alloc : memref<!tpu.dma_semaphore, #tpu.memory_space<semaphore_mem>>
      %dma_start3A = arith.constant 0 : i32
      %dma_start3A_70 = tpu.memref_slice %arg3[%mul3A_64, %dma_start3A] : memref<2560x128xi32, #tpu.memory_space<hbm>> -> memref<80x128xi32, #tpu.memory_space<hbm>>
      %dma_start3A_71 = arith.constant 0 : i32
      %dma_start3A_72 = tpu.memref_slice %arg3[%mul3A_64, %dma_start3A_71] : memref<2560x128xi32, #tpu.memory_space<hbm>> -> memref<80x128xi32, #tpu.memory_space<hbm>>
      tpu.enqueue_dma source(%dma_start3A_72 : memref<80x128xi32, #tpu.memory_space<hbm>>) target(%arg9 : memref<80x128xi32, #tpu.memory_space<vmem>>) target_semaphore(%run_scoped3A : memref<!tpu.dma_semaphore, #tpu.memory_space<semaphore_mem>>)
      %dma_wait3A = arith.constant 0 : i32
      %dma_wait3A_73 = tpu.memref_slice %arg3[%mul3A_64, %dma_wait3A] : memref<2560x128xi32, #tpu.memory_space<hbm>> -> memref<80x128xi32, #tpu.memory_space<hbm>>
      %dma_wait3A_74 = arith.constant 0 : i32
      %dma_wait3A_75 = tpu.memref_slice %arg3[%mul3A_64, %dma_wait3A_74] : memref<2560x128xi32, #tpu.memory_space<hbm>> -> memref<80x128xi32, #tpu.memory_space<hbm>>
      tpu.wait_dma2 semaphore(%run_scoped3A : memref<!tpu.dma_semaphore, #tpu.memory_space<semaphore_mem>>) src(%dma_wait3A_75 : memref<80x128xi32, #tpu.memory_space<hbm>>) dst(%arg9 : memref<80x128xi32, #tpu.memory_space<vmem>>)
      tpu.yield
    }) : () -> ()
    %scan3A = arith.constant 0 : i32
    %scan3A_65 = arith.constant 0 : i32
    %scan3A_66 = arith.constant 8 : i32
    %scan3A_67 = arith.addi %scan3A_65, %scan3A_66 : i32
    %scan3A_68 = arith.constant 1 : i32
    scf.for %scan3A_70 = %scan3A_65 to %scan3A_67 step %scan3A_68  : i32 {
      %mul3A_71 = arith.constant 512 : i32
      %mul3A_72 = arith.muli %add3A, %mul3A_71 : i32
      %mul3A_73 = arith.constant 64 : i32
      %mul3A_74 = arith.muli %scan3A_70, %mul3A_73 : i32
      %add3A_75 = arith.addi %mul3A_72, %mul3A_74 : i32
      "tpu.region"() ({
        %run_scoped3A = tpu.sem_alloc : memref<!tpu.dma_semaphore, #tpu.memory_space<semaphore_mem>>
        %dma_start3A_300 = arith.constant 0 : i32
        %dma_start3A_301 = tpu.memref_slice %arg4[%add3A_75, %dma_start3A_300] : memref<16384x64xf32, #tpu.memory_space<hbm>> -> memref<64x64xf32, #tpu.memory_space<hbm>>
        %dma_start3A_302 = arith.constant 0 : i32
        %dma_start3A_303 = tpu.memref_slice %arg4[%add3A_75, %dma_start3A_302] : memref<16384x64xf32, #tpu.memory_space<hbm>> -> memref<64x64xf32, #tpu.memory_space<hbm>>
        tpu.enqueue_dma source(%dma_start3A_303 : memref<64x64xf32, #tpu.memory_space<hbm>>) target(%arg11 : memref<64x64xf32, #tpu.memory_space<vmem>>) target_semaphore(%run_scoped3A : memref<!tpu.dma_semaphore, #tpu.memory_space<semaphore_mem>>)
        %dma_wait3A_304 = arith.constant 0 : i32
        %dma_wait3A_305 = tpu.memref_slice %arg4[%add3A_75, %dma_wait3A_304] : memref<16384x64xf32, #tpu.memory_space<hbm>> -> memref<64x64xf32, #tpu.memory_space<hbm>>
        %dma_wait3A_306 = arith.constant 0 : i32
        %dma_wait3A_307 = tpu.memref_slice %arg4[%add3A_75, %dma_wait3A_306] : memref<16384x64xf32, #tpu.memory_space<hbm>> -> memref<64x64xf32, #tpu.memory_space<hbm>>
        tpu.wait_dma2 semaphore(%run_scoped3A : memref<!tpu.dma_semaphore, #tpu.memory_space<semaphore_mem>>) src(%dma_wait3A_307 : memref<64x64xf32, #tpu.memory_space<hbm>>) dst(%arg11 : memref<64x64xf32, #tpu.memory_space<vmem>>)
        tpu.yield
      }) : () -> ()
      %mul3A_76 = arith.constant 10 : i32
      %mul3A_77 = arith.muli %scan3A_70, %mul3A_76 : i32
      %add3A_78 = arith.constant 0 : i32
      %add3A_79 = arith.addi %mul3A_77, %add3A_78 : i32
      %dma_start3A = arith.constant 0 : i32
      %dma_start3A_80 = arith.constant 0 : i32
      %dma_start3A_81 = tpu.memref_slice %arg10[%dma_start3A, %dma_start3A_80] : memref<1280x64xf32, #tpu.memory_space<vmem>> -> memref<128x64xf32, #tpu.memory_space<vmem>>
      %dma_start3A_82 = arith.constant 0 : i32
      %dma_start3A_83 = tpu.memref_slice %arg9[%add3A_79, %dma_start3A_82] : memref<80x128xi32, #tpu.memory_space<vmem>> -> memref<1x128xi32, #tpu.memory_space<vmem>>
      %dma_start3A_84 = tpu.memref_squeeze %dma_start3A_83 : memref<1x128xi32, #tpu.memory_space<vmem>> -> memref<128xi32, #tpu.memory_space<vmem>>
      %dma_start3A_85 = arith.constant 0 : i32
      %dma_start3A_86 = arith.constant 0 : i32
      %dma_start3A_87 = tpu.memref_slice %arg2[%dma_start3A_85, %dma_start3A_86] : memref<16384x64xf32, #tpu.memory_space<hbm>> -> memref<16384x64xf32, #tpu.memory_space<hbm>>
      tpu.enqueue_indirect_dma source(%dma_start3A_87 : memref<16384x64xf32, #tpu.memory_space<hbm>>) target(%dma_start3A_81 : memref<128x64xf32, #tpu.memory_space<vmem>>) offsets(%dma_start3A_84 : memref<128xi32, #tpu.memory_space<vmem>>) semaphore(%arg16 : memref<!tpu.dma_semaphore, #tpu.memory_space<semaphore_mem>>)
      %mul3A_88 = arith.constant 10 : i32
      %mul3A_89 = arith.muli %scan3A_70, %mul3A_88 : i32
      %add3A_90 = arith.constant 1 : i32
      %add3A_91 = arith.addi %mul3A_89, %add3A_90 : i32
      %dma_start3A_92 = arith.constant 128 : i32
      %dma_start3A_93 = arith.constant 0 : i32
      %dma_start3A_94 = tpu.memref_slice %arg10[%dma_start3A_92, %dma_start3A_93] : memref<1280x64xf32, #tpu.memory_space<vmem>> -> memref<128x64xf32, #tpu.memory_space<vmem>>
      %dma_start3A_95 = arith.constant 0 : i32
      %dma_start3A_96 = tpu.memref_slice %arg9[%add3A_91, %dma_start3A_95] : memref<80x128xi32, #tpu.memory_space<vmem>> -> memref<1x128xi32, #tpu.memory_space<vmem>>
      %dma_start3A_97 = tpu.memref_squeeze %dma_start3A_96 : memref<1x128xi32, #tpu.memory_space<vmem>> -> memref<128xi32, #tpu.memory_space<vmem>>
      %dma_start3A_98 = arith.constant 0 : i32
      %dma_start3A_99 = arith.constant 0 : i32
      %dma_start3A_100 = tpu.memref_slice %arg2[%dma_start3A_98, %dma_start3A_99] : memref<16384x64xf32, #tpu.memory_space<hbm>> -> memref<16384x64xf32, #tpu.memory_space<hbm>>
      tpu.enqueue_indirect_dma source(%dma_start3A_100 : memref<16384x64xf32, #tpu.memory_space<hbm>>) target(%dma_start3A_94 : memref<128x64xf32, #tpu.memory_space<vmem>>) offsets(%dma_start3A_97 : memref<128xi32, #tpu.memory_space<vmem>>) semaphore(%arg16 : memref<!tpu.dma_semaphore, #tpu.memory_space<semaphore_mem>>)
      %mul3A_101 = arith.constant 10 : i32
      %mul3A_102 = arith.muli %scan3A_70, %mul3A_101 : i32
      %add3A_103 = arith.constant 2 : i32
      %add3A_104 = arith.addi %mul3A_102, %add3A_103 : i32
      %dma_start3A_105 = arith.constant 256 : i32
      %dma_start3A_106 = arith.constant 0 : i32
      %dma_start3A_107 = tpu.memref_slice %arg10[%dma_start3A_105, %dma_start3A_106] : memref<1280x64xf32, #tpu.memory_space<vmem>> -> memref<128x64xf32, #tpu.memory_space<vmem>>
      %dma_start3A_108 = arith.constant 0 : i32
      %dma_start3A_109 = tpu.memref_slice %arg9[%add3A_104, %dma_start3A_108] : memref<80x128xi32, #tpu.memory_space<vmem>> -> memref<1x128xi32, #tpu.memory_space<vmem>>
      %dma_start3A_110 = tpu.memref_squeeze %dma_start3A_109 : memref<1x128xi32, #tpu.memory_space<vmem>> -> memref<128xi32, #tpu.memory_space<vmem>>
      %dma_start3A_111 = arith.constant 0 : i32
      %dma_start3A_112 = arith.constant 0 : i32
      %dma_start3A_113 = tpu.memref_slice %arg2[%dma_start3A_111, %dma_start3A_112] : memref<16384x64xf32, #tpu.memory_space<hbm>> -> memref<16384x64xf32, #tpu.memory_space<hbm>>
      tpu.enqueue_indirect_dma source(%dma_start3A_113 : memref<16384x64xf32, #tpu.memory_space<hbm>>) target(%dma_start3A_107 : memref<128x64xf32, #tpu.memory_space<vmem>>) offsets(%dma_start3A_110 : memref<128xi32, #tpu.memory_space<vmem>>) semaphore(%arg16 : memref<!tpu.dma_semaphore, #tpu.memory_space<semaphore_mem>>)
      %mul3A_114 = arith.constant 10 : i32
      %mul3A_115 = arith.muli %scan3A_70, %mul3A_114 : i32
      %add3A_116 = arith.constant 3 : i32
      %add3A_117 = arith.addi %mul3A_115, %add3A_116 : i32
      %dma_start3A_118 = arith.constant 384 : i32
      %dma_start3A_119 = arith.constant 0 : i32
      %dma_start3A_120 = tpu.memref_slice %arg10[%dma_start3A_118, %dma_start3A_119] : memref<1280x64xf32, #tpu.memory_space<vmem>> -> memref<128x64xf32, #tpu.memory_space<vmem>>
      %dma_start3A_121 = arith.constant 0 : i32
      %dma_start3A_122 = tpu.memref_slice %arg9[%add3A_117, %dma_start3A_121] : memref<80x128xi32, #tpu.memory_space<vmem>> -> memref<1x128xi32, #tpu.memory_space<vmem>>
      %dma_start3A_123 = tpu.memref_squeeze %dma_start3A_122 : memref<1x128xi32, #tpu.memory_space<vmem>> -> memref<128xi32, #tpu.memory_space<vmem>>
      %dma_start3A_124 = arith.constant 0 : i32
      %dma_start3A_125 = arith.constant 0 : i32
      %dma_start3A_126 = tpu.memref_slice %arg2[%dma_start3A_124, %dma_start3A_125] : memref<16384x64xf32, #tpu.memory_space<hbm>> -> memref<16384x64xf32, #tpu.memory_space<hbm>>
      tpu.enqueue_indirect_dma source(%dma_start3A_126 : memref<16384x64xf32, #tpu.memory_space<hbm>>) target(%dma_start3A_120 : memref<128x64xf32, #tpu.memory_space<vmem>>) offsets(%dma_start3A_123 : memref<128xi32, #tpu.memory_space<vmem>>) semaphore(%arg16 : memref<!tpu.dma_semaphore, #tpu.memory_space<semaphore_mem>>)
      %mul3A_127 = arith.constant 10 : i32
      %mul3A_128 = arith.muli %scan3A_70, %mul3A_127 : i32
      %add3A_129 = arith.constant 4 : i32
      %add3A_130 = arith.addi %mul3A_128, %add3A_129 : i32
      %dma_start3A_131 = arith.constant 512 : i32
      %dma_start3A_132 = arith.constant 0 : i32
      %dma_start3A_133 = tpu.memref_slice %arg10[%dma_start3A_131, %dma_start3A_132] : memref<1280x64xf32, #tpu.memory_space<vmem>> -> memref<128x64xf32, #tpu.memory_space<vmem>>
      %dma_start3A_134 = arith.constant 0 : i32
      %dma_start3A_135 = tpu.memref_slice %arg9[%add3A_130, %dma_start3A_134] : memref<80x128xi32, #tpu.memory_space<vmem>> -> memref<1x128xi32, #tpu.memory_space<vmem>>
      %dma_start3A_136 = tpu.memref_squeeze %dma_start3A_135 : memref<1x128xi32, #tpu.memory_space<vmem>> -> memref<128xi32, #tpu.memory_space<vmem>>
      %dma_start3A_137 = arith.constant 0 : i32
      %dma_start3A_138 = arith.constant 0 : i32
      %dma_start3A_139 = tpu.memref_slice %arg2[%dma_start3A_137, %dma_start3A_138] : memref<16384x64xf32, #tpu.memory_space<hbm>> -> memref<16384x64xf32, #tpu.memory_space<hbm>>
      tpu.enqueue_indirect_dma source(%dma_start3A_139 : memref<16384x64xf32, #tpu.memory_space<hbm>>) target(%dma_start3A_133 : memref<128x64xf32, #tpu.memory_space<vmem>>) offsets(%dma_start3A_136 : memref<128xi32, #tpu.memory_space<vmem>>) semaphore(%arg16 : memref<!tpu.dma_semaphore, #tpu.memory_space<semaphore_mem>>)
      %mul3A_140 = arith.constant 10 : i32
      %mul3A_141 = arith.muli %scan3A_70, %mul3A_140 : i32
      %add3A_142 = arith.constant 5 : i32
      %add3A_143 = arith.addi %mul3A_141, %add3A_142 : i32
      %dma_start3A_144 = arith.constant 640 : i32
      %dma_start3A_145 = arith.constant 0 : i32
      %dma_start3A_146 = tpu.memref_slice %arg10[%dma_start3A_144, %dma_start3A_145] : memref<1280x64xf32, #tpu.memory_space<vmem>> -> memref<128x64xf32, #tpu.memory_space<vmem>>
      %dma_start3A_147 = arith.constant 0 : i32
      %dma_start3A_148 = tpu.memref_slice %arg9[%add3A_143, %dma_start3A_147] : memref<80x128xi32, #tpu.memory_space<vmem>> -> memref<1x128xi32, #tpu.memory_space<vmem>>
      %dma_start3A_149 = tpu.memref_squeeze %dma_start3A_148 : memref<1x128xi32, #tpu.memory_space<vmem>> -> memref<128xi32, #tpu.memory_space<vmem>>
      %dma_start3A_150 = arith.constant 0 : i32
      %dma_start3A_151 = arith.constant 0 : i32
      %dma_start3A_152 = tpu.memref_slice %arg2[%dma_start3A_150, %dma_start3A_151] : memref<16384x64xf32, #tpu.memory_space<hbm>> -> memref<16384x64xf32, #tpu.memory_space<hbm>>
      tpu.enqueue_indirect_dma source(%dma_start3A_152 : memref<16384x64xf32, #tpu.memory_space<hbm>>) target(%dma_start3A_146 : memref<128x64xf32, #tpu.memory_space<vmem>>) offsets(%dma_start3A_149 : memref<128xi32, #tpu.memory_space<vmem>>) semaphore(%arg16 : memref<!tpu.dma_semaphore, #tpu.memory_space<semaphore_mem>>)
      %mul3A_153 = arith.constant 10 : i32
      %mul3A_154 = arith.muli %scan3A_70, %mul3A_153 : i32
      %add3A_155 = arith.constant 6 : i32
      %add3A_156 = arith.addi %mul3A_154, %add3A_155 : i32
      %dma_start3A_157 = arith.constant 768 : i32
      %dma_start3A_158 = arith.constant 0 : i32
      %dma_start3A_159 = tpu.memref_slice %arg10[%dma_start3A_157, %dma_start3A_158] : memref<1280x64xf32, #tpu.memory_space<vmem>> -> memref<128x64xf32, #tpu.memory_space<vmem>>
      %dma_start3A_160 = arith.constant 0 : i32
      %dma_start3A_161 = tpu.memref_slice %arg9[%add3A_156, %dma_start3A_160] : memref<80x128xi32, #tpu.memory_space<vmem>> -> memref<1x128xi32, #tpu.memory_space<vmem>>
      %dma_start3A_162 = tpu.memref_squeeze %dma_start3A_161 : memref<1x128xi32, #tpu.memory_space<vmem>> -> memref<128xi32, #tpu.memory_space<vmem>>
      %dma_start3A_163 = arith.constant 0 : i32
      %dma_start3A_164 = arith.constant 0 : i32
      %dma_start3A_165 = tpu.memref_slice %arg2[%dma_start3A_163, %dma_start3A_164] : memref<16384x64xf32, #tpu.memory_space<hbm>> -> memref<16384x64xf32, #tpu.memory_space<hbm>>
      tpu.enqueue_indirect_dma source(%dma_start3A_165 : memref<16384x64xf32, #tpu.memory_space<hbm>>) target(%dma_start3A_159 : memref<128x64xf32, #tpu.memory_space<vmem>>) offsets(%dma_start3A_162 : memref<128xi32, #tpu.memory_space<vmem>>) semaphore(%arg16 : memref<!tpu.dma_semaphore, #tpu.memory_space<semaphore_mem>>)
      %mul3A_166 = arith.constant 10 : i32
      %mul3A_167 = arith.muli %scan3A_70, %mul3A_166 : i32
      %add3A_168 = arith.constant 7 : i32
      %add3A_169 = arith.addi %mul3A_167, %add3A_168 : i32
      %dma_start3A_170 = arith.constant 896 : i32
      %dma_start3A_171 = arith.constant 0 : i32
      %dma_start3A_172 = tpu.memref_slice %arg10[%dma_start3A_170, %dma_start3A_171] : memref<1280x64xf32, #tpu.memory_space<vmem>> -> memref<128x64xf32, #tpu.memory_space<vmem>>
      %dma_start3A_173 = arith.constant 0 : i32
      %dma_start3A_174 = tpu.memref_slice %arg9[%add3A_169, %dma_start3A_173] : memref<80x128xi32, #tpu.memory_space<vmem>> -> memref<1x128xi32, #tpu.memory_space<vmem>>
      %dma_start3A_175 = tpu.memref_squeeze %dma_start3A_174 : memref<1x128xi32, #tpu.memory_space<vmem>> -> memref<128xi32, #tpu.memory_space<vmem>>
      %dma_start3A_176 = arith.constant 0 : i32
      %dma_start3A_177 = arith.constant 0 : i32
      %dma_start3A_178 = tpu.memref_slice %arg2[%dma_start3A_176, %dma_start3A_177] : memref<16384x64xf32, #tpu.memory_space<hbm>> -> memref<16384x64xf32, #tpu.memory_space<hbm>>
      tpu.enqueue_indirect_dma source(%dma_start3A_178 : memref<16384x64xf32, #tpu.memory_space<hbm>>) target(%dma_start3A_172 : memref<128x64xf32, #tpu.memory_space<vmem>>) offsets(%dma_start3A_175 : memref<128xi32, #tpu.memory_space<vmem>>) semaphore(%arg16 : memref<!tpu.dma_semaphore, #tpu.memory_space<semaphore_mem>>)
      %mul3A_179 = arith.constant 10 : i32
      %mul3A_180 = arith.muli %scan3A_70, %mul3A_179 : i32
      %add3A_181 = arith.constant 8 : i32
      %add3A_182 = arith.addi %mul3A_180, %add3A_181 : i32
      %dma_start3A_183 = arith.constant 1024 : i32
      %dma_start3A_184 = arith.constant 0 : i32
      %dma_start3A_185 = tpu.memref_slice %arg10[%dma_start3A_183, %dma_start3A_184] : memref<1280x64xf32, #tpu.memory_space<vmem>> -> memref<128x64xf32, #tpu.memory_space<vmem>>
      %dma_start3A_186 = arith.constant 0 : i32
      %dma_start3A_187 = tpu.memref_slice %arg9[%add3A_182, %dma_start3A_186] : memref<80x128xi32, #tpu.memory_space<vmem>> -> memref<1x128xi32, #tpu.memory_space<vmem>>
      %dma_start3A_188 = tpu.memref_squeeze %dma_start3A_187 : memref<1x128xi32, #tpu.memory_space<vmem>> -> memref<128xi32, #tpu.memory_space<vmem>>
      %dma_start3A_189 = arith.constant 0 : i32
      %dma_start3A_190 = arith.constant 0 : i32
      %dma_start3A_191 = tpu.memref_slice %arg2[%dma_start3A_189, %dma_start3A_190] : memref<16384x64xf32, #tpu.memory_space<hbm>> -> memref<16384x64xf32, #tpu.memory_space<hbm>>
      tpu.enqueue_indirect_dma source(%dma_start3A_191 : memref<16384x64xf32, #tpu.memory_space<hbm>>) target(%dma_start3A_185 : memref<128x64xf32, #tpu.memory_space<vmem>>) offsets(%dma_start3A_188 : memref<128xi32, #tpu.memory_space<vmem>>) semaphore(%arg16 : memref<!tpu.dma_semaphore, #tpu.memory_space<semaphore_mem>>)
      %mul3A_192 = arith.constant 10 : i32
      %mul3A_193 = arith.muli %scan3A_70, %mul3A_192 : i32
      %add3A_194 = arith.constant 9 : i32
      %add3A_195 = arith.addi %mul3A_193, %add3A_194 : i32
      %dma_start3A_196 = arith.constant 1152 : i32
      %dma_start3A_197 = arith.constant 0 : i32
      %dma_start3A_198 = tpu.memref_slice %arg10[%dma_start3A_196, %dma_start3A_197] : memref<1280x64xf32, #tpu.memory_space<vmem>> -> memref<128x64xf32, #tpu.memory_space<vmem>>
      %dma_start3A_199 = arith.constant 0 : i32
      %dma_start3A_200 = tpu.memref_slice %arg9[%add3A_195, %dma_start3A_199] : memref<80x128xi32, #tpu.memory_space<vmem>> -> memref<1x128xi32, #tpu.memory_space<vmem>>
      %dma_start3A_201 = tpu.memref_squeeze %dma_start3A_200 : memref<1x128xi32, #tpu.memory_space<vmem>> -> memref<128xi32, #tpu.memory_space<vmem>>
      %dma_start3A_202 = arith.constant 0 : i32
      %dma_start3A_203 = arith.constant 0 : i32
      %dma_start3A_204 = tpu.memref_slice %arg2[%dma_start3A_202, %dma_start3A_203] : memref<16384x64xf32, #tpu.memory_space<hbm>> -> memref<16384x64xf32, #tpu.memory_space<hbm>>
      tpu.enqueue_indirect_dma source(%dma_start3A_204 : memref<16384x64xf32, #tpu.memory_space<hbm>>) target(%dma_start3A_198 : memref<128x64xf32, #tpu.memory_space<vmem>>) offsets(%dma_start3A_201 : memref<128xi32, #tpu.memory_space<vmem>>) semaphore(%arg16 : memref<!tpu.dma_semaphore, #tpu.memory_space<semaphore_mem>>)
      %dma_wait3A = arith.constant 0 : i32
      %dma_wait3A_205 = arith.constant 0 : i32
      %dma_wait3A_206 = tpu.memref_slice %arg10[%dma_wait3A, %dma_wait3A_205] : memref<1280x64xf32, #tpu.memory_space<vmem>> -> memref<128x64xf32, #tpu.memory_space<vmem>>
      %dma_wait3A_207 = arith.constant 0 : i32
      %dma_wait3A_208 = tpu.memref_slice %arg9[%add3A_79, %dma_wait3A_207] : memref<80x128xi32, #tpu.memory_space<vmem>> -> memref<1x128xi32, #tpu.memory_space<vmem>>
      %dma_wait3A_209 = tpu.memref_squeeze %dma_wait3A_208 : memref<1x128xi32, #tpu.memory_space<vmem>> -> memref<128xi32, #tpu.memory_space<vmem>>
      %dma_wait3A_210 = arith.constant 0 : i32
      %dma_wait3A_211 = arith.constant 0 : i32
      %dma_wait3A_212 = tpu.memref_slice %arg2[%dma_wait3A_210, %dma_wait3A_211] : memref<16384x64xf32, #tpu.memory_space<hbm>> -> memref<16384x64xf32, #tpu.memory_space<hbm>>
      tpu.wait_indirect_dma semaphore(%arg16 : memref<!tpu.dma_semaphore, #tpu.memory_space<semaphore_mem>>) src(%dma_wait3A_212 : memref<16384x64xf32, #tpu.memory_space<hbm>>) dst(%dma_wait3A_206 : memref<128x64xf32, #tpu.memory_space<vmem>>)
      %dma_wait3A_213 = arith.constant 128 : i32
      %dma_wait3A_214 = arith.constant 0 : i32
      %dma_wait3A_215 = tpu.memref_slice %arg10[%dma_wait3A_213, %dma_wait3A_214] : memref<1280x64xf32, #tpu.memory_space<vmem>> -> memref<128x64xf32, #tpu.memory_space<vmem>>
      %dma_wait3A_216 = arith.constant 0 : i32
      %dma_wait3A_217 = tpu.memref_slice %arg9[%add3A_91, %dma_wait3A_216] : memref<80x128xi32, #tpu.memory_space<vmem>> -> memref<1x128xi32, #tpu.memory_space<vmem>>
      %dma_wait3A_218 = tpu.memref_squeeze %dma_wait3A_217 : memref<1x128xi32, #tpu.memory_space<vmem>> -> memref<128xi32, #tpu.memory_space<vmem>>
      %dma_wait3A_219 = arith.constant 0 : i32
      %dma_wait3A_220 = arith.constant 0 : i32
      %dma_wait3A_221 = tpu.memref_slice %arg2[%dma_wait3A_219, %dma_wait3A_220] : memref<16384x64xf32, #tpu.memory_space<hbm>> -> memref<16384x64xf32, #tpu.memory_space<hbm>>
      tpu.wait_indirect_dma semaphore(%arg16 : memref<!tpu.dma_semaphore, #tpu.memory_space<semaphore_mem>>) src(%dma_wait3A_221 : memref<16384x64xf32, #tpu.memory_space<hbm>>) dst(%dma_wait3A_215 : memref<128x64xf32, #tpu.memory_space<vmem>>)
      %dma_wait3A_222 = arith.constant 256 : i32
      %dma_wait3A_223 = arith.constant 0 : i32
      %dma_wait3A_224 = tpu.memref_slice %arg10[%dma_wait3A_222, %dma_wait3A_223] : memref<1280x64xf32, #tpu.memory_space<vmem>> -> memref<128x64xf32, #tpu.memory_space<vmem>>
      %dma_wait3A_225 = arith.constant 0 : i32
      %dma_wait3A_226 = tpu.memref_slice %arg9[%add3A_104, %dma_wait3A_225] : memref<80x128xi32, #tpu.memory_space<vmem>> -> memref<1x128xi32, #tpu.memory_space<vmem>>
      %dma_wait3A_227 = tpu.memref_squeeze %dma_wait3A_226 : memref<1x128xi32, #tpu.memory_space<vmem>> -> memref<128xi32, #tpu.memory_space<vmem>>
      %dma_wait3A_228 = arith.constant 0 : i32
      %dma_wait3A_229 = arith.constant 0 : i32
      %dma_wait3A_230 = tpu.memref_slice %arg2[%dma_wait3A_228, %dma_wait3A_229] : memref<16384x64xf32, #tpu.memory_space<hbm>> -> memref<16384x64xf32, #tpu.memory_space<hbm>>
      tpu.wait_indirect_dma semaphore(%arg16 : memref<!tpu.dma_semaphore, #tpu.memory_space<semaphore_mem>>) src(%dma_wait3A_230 : memref<16384x64xf32, #tpu.memory_space<hbm>>) dst(%dma_wait3A_224 : memref<128x64xf32, #tpu.memory_space<vmem>>)
      %dma_wait3A_231 = arith.constant 384 : i32
      %dma_wait3A_232 = arith.constant 0 : i32
      %dma_wait3A_233 = tpu.memref_slice %arg10[%dma_wait3A_231, %dma_wait3A_232] : memref<1280x64xf32, #tpu.memory_space<vmem>> -> memref<128x64xf32, #tpu.memory_space<vmem>>
      %dma_wait3A_234 = arith.constant 0 : i32
      %dma_wait3A_235 = tpu.memref_slice %arg9[%add3A_117, %dma_wait3A_234] : memref<80x128xi32, #tpu.memory_space<vmem>> -> memref<1x128xi32, #tpu.memory_space<vmem>>
      %dma_wait3A_236 = tpu.memref_squeeze %dma_wait3A_235 : memref<1x128xi32, #tpu.memory_space<vmem>> -> memref<128xi32, #tpu.memory_space<vmem>>
      %dma_wait3A_237 = arith.constant 0 : i32
      %dma_wait3A_238 = arith.constant 0 : i32
      %dma_wait3A_239 = tpu.memref_slice %arg2[%dma_wait3A_237, %dma_wait3A_238] : memref<16384x64xf32, #tpu.memory_space<hbm>> -> memref<16384x64xf32, #tpu.memory_space<hbm>>
      tpu.wait_indirect_dma semaphore(%arg16 : memref<!tpu.dma_semaphore, #tpu.memory_space<semaphore_mem>>) src(%dma_wait3A_239 : memref<16384x64xf32, #tpu.memory_space<hbm>>) dst(%dma_wait3A_233 : memref<128x64xf32, #tpu.memory_space<vmem>>)
      %dma_wait3A_240 = arith.constant 512 : i32
      %dma_wait3A_241 = arith.constant 0 : i32
      %dma_wait3A_242 = tpu.memref_slice %arg10[%dma_wait3A_240, %dma_wait3A_241] : memref<1280x64xf32, #tpu.memory_space<vmem>> -> memref<128x64xf32, #tpu.memory_space<vmem>>
      %dma_wait3A_243 = arith.constant 0 : i32
      %dma_wait3A_244 = tpu.memref_slice %arg9[%add3A_130, %dma_wait3A_243] : memref<80x128xi32, #tpu.memory_space<vmem>> -> memref<1x128xi32, #tpu.memory_space<vmem>>
      %dma_wait3A_245 = tpu.memref_squeeze %dma_wait3A_244 : memref<1x128xi32, #tpu.memory_space<vmem>> -> memref<128xi32, #tpu.memory_space<vmem>>
      %dma_wait3A_246 = arith.constant 0 : i32
      %dma_wait3A_247 = arith.constant 0 : i32
      %dma_wait3A_248 = tpu.memref_slice %arg2[%dma_wait3A_246, %dma_wait3A_247] : memref<16384x64xf32, #tpu.memory_space<hbm>> -> memref<16384x64xf32, #tpu.memory_space<hbm>>
      tpu.wait_indirect_dma semaphore(%arg16 : memref<!tpu.dma_semaphore, #tpu.memory_space<semaphore_mem>>) src(%dma_wait3A_248 : memref<16384x64xf32, #tpu.memory_space<hbm>>) dst(%dma_wait3A_242 : memref<128x64xf32, #tpu.memory_space<vmem>>)
      %dma_wait3A_249 = arith.constant 640 : i32
      %dma_wait3A_250 = arith.constant 0 : i32
      %dma_wait3A_251 = tpu.memref_slice %arg10[%dma_wait3A_249, %dma_wait3A_250] : memref<1280x64xf32, #tpu.memory_space<vmem>> -> memref<128x64xf32, #tpu.memory_space<vmem>>
      %dma_wait3A_252 = arith.constant 0 : i32
      %dma_wait3A_253 = tpu.memref_slice %arg9[%add3A_143, %dma_wait3A_252] : memref<80x128xi32, #tpu.memory_space<vmem>> -> memref<1x128xi32, #tpu.memory_space<vmem>>
      %dma_wait3A_254 = tpu.memref_squeeze %dma_wait3A_253 : memref<1x128xi32, #tpu.memory_space<vmem>> -> memref<128xi32, #tpu.memory_space<vmem>>
      %dma_wait3A_255 = arith.constant 0 : i32
      %dma_wait3A_256 = arith.constant 0 : i32
      %dma_wait3A_257 = tpu.memref_slice %arg2[%dma_wait3A_255, %dma_wait3A_256] : memref<16384x64xf32, #tpu.memory_space<hbm>> -> memref<16384x64xf32, #tpu.memory_space<hbm>>
      tpu.wait_indirect_dma semaphore(%arg16 : memref<!tpu.dma_semaphore, #tpu.memory_space<semaphore_mem>>) src(%dma_wait3A_257 : memref<16384x64xf32, #tpu.memory_space<hbm>>) dst(%dma_wait3A_251 : memref<128x64xf32, #tpu.memory_space<vmem>>)
      %dma_wait3A_258 = arith.constant 768 : i32
      %dma_wait3A_259 = arith.constant 0 : i32
      %dma_wait3A_260 = tpu.memref_slice %arg10[%dma_wait3A_258, %dma_wait3A_259] : memref<1280x64xf32, #tpu.memory_space<vmem>> -> memref<128x64xf32, #tpu.memory_space<vmem>>
      %dma_wait3A_261 = arith.constant 0 : i32
      %dma_wait3A_262 = tpu.memref_slice %arg9[%add3A_156, %dma_wait3A_261] : memref<80x128xi32, #tpu.memory_space<vmem>> -> memref<1x128xi32, #tpu.memory_space<vmem>>
      %dma_wait3A_263 = tpu.memref_squeeze %dma_wait3A_262 : memref<1x128xi32, #tpu.memory_space<vmem>> -> memref<128xi32, #tpu.memory_space<vmem>>
      %dma_wait3A_264 = arith.constant 0 : i32
      %dma_wait3A_265 = arith.constant 0 : i32
      %dma_wait3A_266 = tpu.memref_slice %arg2[%dma_wait3A_264, %dma_wait3A_265] : memref<16384x64xf32, #tpu.memory_space<hbm>> -> memref<16384x64xf32, #tpu.memory_space<hbm>>
      tpu.wait_indirect_dma semaphore(%arg16 : memref<!tpu.dma_semaphore, #tpu.memory_space<semaphore_mem>>) src(%dma_wait3A_266 : memref<16384x64xf32, #tpu.memory_space<hbm>>) dst(%dma_wait3A_260 : memref<128x64xf32, #tpu.memory_space<vmem>>)
      %dma_wait3A_267 = arith.constant 896 : i32
      %dma_wait3A_268 = arith.constant 0 : i32
      %dma_wait3A_269 = tpu.memref_slice %arg10[%dma_wait3A_267, %dma_wait3A_268] : memref<1280x64xf32, #tpu.memory_space<vmem>> -> memref<128x64xf32, #tpu.memory_space<vmem>>
      %dma_wait3A_270 = arith.constant 0 : i32
      %dma_wait3A_271 = tpu.memref_slice %arg9[%add3A_169, %dma_wait3A_270] : memref<80x128xi32, #tpu.memory_space<vmem>> -> memref<1x128xi32, #tpu.memory_space<vmem>>
      %dma_wait3A_272 = tpu.memref_squeeze %dma_wait3A_271 : memref<1x128xi32, #tpu.memory_space<vmem>> -> memref<128xi32, #tpu.memory_space<vmem>>
      %dma_wait3A_273 = arith.constant 0 : i32
      %dma_wait3A_274 = arith.constant 0 : i32
      %dma_wait3A_275 = tpu.memref_slice %arg2[%dma_wait3A_273, %dma_wait3A_274] : memref<16384x64xf32, #tpu.memory_space<hbm>> -> memref<16384x64xf32, #tpu.memory_space<hbm>>
      tpu.wait_indirect_dma semaphore(%arg16 : memref<!tpu.dma_semaphore, #tpu.memory_space<semaphore_mem>>) src(%dma_wait3A_275 : memref<16384x64xf32, #tpu.memory_space<hbm>>) dst(%dma_wait3A_269 : memref<128x64xf32, #tpu.memory_space<vmem>>)
      %dma_wait3A_276 = arith.constant 1024 : i32
      %dma_wait3A_277 = arith.constant 0 : i32
      %dma_wait3A_278 = tpu.memref_slice %arg10[%dma_wait3A_276, %dma_wait3A_277] : memref<1280x64xf32, #tpu.memory_space<vmem>> -> memref<128x64xf32, #tpu.memory_space<vmem>>
      %dma_wait3A_279 = arith.constant 0 : i32
      %dma_wait3A_280 = tpu.memref_slice %arg9[%add3A_182, %dma_wait3A_279] : memref<80x128xi32, #tpu.memory_space<vmem>> -> memref<1x128xi32, #tpu.memory_space<vmem>>
      %dma_wait3A_281 = tpu.memref_squeeze %dma_wait3A_280 : memref<1x128xi32, #tpu.memory_space<vmem>> -> memref<128xi32, #tpu.memory_space<vmem>>
      %dma_wait3A_282 = arith.constant 0 : i32
      %dma_wait3A_283 = arith.constant 0 : i32
      %dma_wait3A_284 = tpu.memref_slice %arg2[%dma_wait3A_282, %dma_wait3A_283] : memref<16384x64xf32, #tpu.memory_space<hbm>> -> memref<16384x64xf32, #tpu.memory_space<hbm>>
      tpu.wait_indirect_dma semaphore(%arg16 : memref<!tpu.dma_semaphore, #tpu.memory_space<semaphore_mem>>) src(%dma_wait3A_284 : memref<16384x64xf32, #tpu.memory_space<hbm>>) dst(%dma_wait3A_278 : memref<128x64xf32, #tpu.memory_space<vmem>>)
      %dma_wait3A_285 = arith.constant 1152 : i32
      %dma_wait3A_286 = arith.constant 0 : i32
      %dma_wait3A_287 = tpu.memref_slice %arg10[%dma_wait3A_285, %dma_wait3A_286] : memref<1280x64xf32, #tpu.memory_space<vmem>> -> memref<128x64xf32, #tpu.memory_space<vmem>>
      %dma_wait3A_288 = arith.constant 0 : i32
      %dma_wait3A_289 = tpu.memref_slice %arg9[%add3A_195, %dma_wait3A_288] : memref<80x128xi32, #tpu.memory_space<vmem>> -> memref<1x128xi32, #tpu.memory_space<vmem>>
      %dma_wait3A_290 = tpu.memref_squeeze %dma_wait3A_289 : memref<1x128xi32, #tpu.memory_space<vmem>> -> memref<128xi32, #tpu.memory_space<vmem>>
      %dma_wait3A_291 = arith.constant 0 : i32
      %dma_wait3A_292 = arith.constant 0 : i32
      %dma_wait3A_293 = tpu.memref_slice %arg2[%dma_wait3A_291, %dma_wait3A_292] : memref<16384x64xf32, #tpu.memory_space<hbm>> -> memref<16384x64xf32, #tpu.memory_space<hbm>>
      tpu.wait_indirect_dma semaphore(%arg16 : memref<!tpu.dma_semaphore, #tpu.memory_space<semaphore_mem>>) src(%dma_wait3A_293 : memref<16384x64xf32, #tpu.memory_space<hbm>>) dst(%dma_wait3A_287 : memref<128x64xf32, #tpu.memory_space<vmem>>)
      %scan3A_294 = arith.constant 0 : i32
      %scan3A_295 = arith.constant 0 : i32
      %scan3A_296 = arith.constant 64 : i32
      %scan3A_297 = arith.addi %scan3A_295, %scan3A_296 : i32
      %scan3A_298 = arith.constant 1 : i32
      scf.for %scan3A_300 = %scan3A_295 to %scan3A_297 step %scan3A_298  : i32 {
        %mul3A_301 = arith.constant 20 : i32
        %mul3A_302 = arith.muli %scan3A_300, %mul3A_301 : i32
        %get3A = arith.index_cast %mul3A_302 : i32 to index
        %get3A_303 = arith.constant 0 : index
        %get3A_304 = tpu.vector_load %arg10[%get3A, %get3A_303] {strides = array<i32>} : memref<1280x64xf32, #tpu.memory_space<vmem>>, vector<1x16xf32>,
        %get3A_305 = vector.shape_cast %get3A_304 : vector<1x16xf32> to vector<16xf32>
        %mul3A_306 = arith.mulf %get3A_305, %get3A_305 : vector<16xf32>
        %scan3A_307 = arith.constant 1 : i32
        %scan3A_308 = arith.constant 19 : i32
        %scan3A_309 = arith.addi %scan3A_307, %scan3A_308 : i32
        %scan3A_310 = arith.constant 1 : i32
        %scan3A_311:4 = scf.for %scan3A_562 = %scan3A_307 to %scan3A_309 step %scan3A_310 iter_args(%scan3A_563 = %get3A_305, %scan3A_564 = %get3A_305, %scan3A_565 = %get3A_305, %scan3A_566 = %mul3A_306) -> (vector<16xf32>, vector<16xf32>, vector<16xf32>, vector<16xf32>)  : i32 {
          %add3A_567 = arith.addi %mul3A_302, %scan3A_562 : i32
          %get3A_568 = arith.index_cast %add3A_567 : i32 to index
          %get3A_569 = arith.constant 0 : index
          %get3A_570 = tpu.vector_load %arg10[%get3A_568, %get3A_569] {strides = array<i32>} : memref<1280x64xf32, #tpu.memory_space<vmem>>, vector<1x16xf32>,
          %get3A_571 = vector.shape_cast %get3A_570 : vector<1x16xf32> to vector<16xf32>
          %max3A = arith.maximumf %scan3A_563, %get3A_571 : vector<16xf32>
          %min3A = arith.minimumf %scan3A_564, %get3A_571 : vector<16xf32>
          %add3A_572 = arith.addf %scan3A_565, %get3A_571 : vector<16xf32>
          %mul3A_573 = arith.mulf %get3A_571, %get3A_571 : vector<16xf32>
          %add3A_574 = arith.addf %scan3A_566, %mul3A_573 : vector<16xf32>
          scf.yield %max3A, %min3A, %add3A_572, %add3A_574 : vector<16xf32>, vector<16xf32>, vector<16xf32>, vector<16xf32>
        }
        %scan3A_312 = arith.constant 19 : i32
        %get3A_313 = arith.index_cast %scan3A_300 : i32 to index
        %get3A_314 = arith.constant 0 : index
        %get3A_315 = tpu.vector_load %arg11[%get3A_313, %get3A_314] {strides = array<i32>} : memref<64x64xf32, #tpu.memory_space<vmem>>, vector<1x16xf32>,
        %get3A_316 = vector.shape_cast %get3A_315 : vector<1x16xf32> to vector<16xf32>
        %add3A_317 = arith.addf %scan3A_311#0, %get3A_316 : vector<16xf32>
        %swap3A_318 = arith.index_cast %scan3A_300 : i32 to index
        %swap3A_319 = arith.constant 0 : index
        %swap3A_320 = tpu.vector_load %arg12[%swap3A_318, %swap3A_319] {strides = array<i32>} : memref<64x64xf32, #tpu.memory_space<vmem>>, vector<1x16xf32>,
        %swap3A_321 = vector.shape_cast %swap3A_320 : vector<1x16xf32> to vector<16xf32>
        %swap3A_322 = vector.shape_cast %add3A_317 : vector<16xf32> to vector<1x16xf32>
        tpu.vector_store %arg12[%swap3A_318, %swap3A_319], %swap3A_322 {strides = array<i32>} : memref<64x64xf32, #tpu.memory_space<vmem>>, vector<1x16xf32>,
        %add3A_323 = arith.addf %scan3A_311#1, %get3A_316 : vector<16xf32>
        %swap3A_324 = arith.index_cast %scan3A_300 : i32 to index
        %swap3A_325 = arith.constant 0 : index
        %swap3A_326 = tpu.vector_load %arg13[%swap3A_324, %swap3A_325] {strides = array<i32>} : memref<64x64xf32, #tpu.memory_space<vmem>>, vector<1x16xf32>,
        %swap3A_327 = vector.shape_cast %swap3A_326 : vector<1x16xf32> to vector<16xf32>
        %swap3A_328 = vector.shape_cast %add3A_323 : vector<16xf32> to vector<1x16xf32>
        tpu.vector_store %arg13[%swap3A_324, %swap3A_325], %swap3A_328 {strides = array<i32>} : memref<64x64xf32, #tpu.memory_space<vmem>>, vector<1x16xf32>,
        %get3A_329 = arith.constant 0 : i32
        %get3A_330 = arith.index_cast %get3A_329 : i32 to index
        %get3A_331 = arith.constant 0 : index
        %get3A_332 = tpu.vector_load %arg14[%get3A_330, %get3A_331] {strides = array<i32>} : memref<4x16xf32, #tpu.memory_space<vmem>>, vector<1x16xf32>,
        %get3A_333 = vector.shape_cast %get3A_332 : vector<1x16xf32> to vector<16xf32>
        %add3A_334 = arith.addf %get3A_333, %scan3A_311#2 : vector<16xf32>
        %mul3A_335 = arith.constant 2.000000e+01 : f32
        %mul3A_336 = vector.broadcast %mul3A_335 : f32 to vector<16xf32>
        %mul3A_337 = arith.mulf %mul3A_336, %get3A_316 : vector<16xf32>
        %add3A_338 = arith.addf %add3A_334, %mul3A_337 : vector<16xf32>
        %swap3A_339 = arith.constant 0 : i32
        %swap3A_340 = arith.index_cast %swap3A_339 : i32 to index
        %swap3A_341 = arith.constant 0 : index
        %swap3A_342 = tpu.vector_load %arg14[%swap3A_340, %swap3A_341] {strides = array<i32>} : memref<4x16xf32, #tpu.memory_space<vmem>>, vector<1x16xf32>,
        %swap3A_343 = vector.shape_cast %swap3A_342 : vector<1x16xf32> to vector<16xf32>
        %swap3A_344 = vector.shape_cast %add3A_338 : vector<16xf32> to vector<1x16xf32>
        tpu.vector_store %arg14[%swap3A_340, %swap3A_341], %swap3A_344 {strides = array<i32>} : memref<4x16xf32, #tpu.memory_space<vmem>>, vector<1x16xf32>,
        %get3A_345 = arith.constant 0 : i32
        %get3A_346 = arith.index_cast %get3A_345 : i32 to index
        %get3A_347 = arith.constant 0 : index
        %get3A_348 = tpu.vector_load %arg15[%get3A_346, %get3A_347] {strides = array<i32>} : memref<4x16xf32, #tpu.memory_space<vmem>>, vector<1x16xf32>,
        %get3A_349 = vector.shape_cast %get3A_348 : vector<1x16xf32> to vector<16xf32>
        %add3A_350 = arith.addf %get3A_349, %scan3A_311#3 : vector<16xf32>
        %mul3A_351 = arith.constant 2.000000e+00 : f32
        %mul3A_352 = vector.broadcast %mul3A_351 : f32 to vector<16xf32>
        %mul3A_353 = arith.mulf %mul3A_352, %get3A_316 : vector<16xf32>
        %mul3A_354 = arith.mulf %mul3A_353, %scan3A_311#2 : vector<16xf32>
        %add3A_355 = arith.addf %add3A_350, %mul3A_354 : vector<16xf32>
        %mul3A_356 = arith.constant 2.000000e+01 : f32
        %mul3A_357 = vector.broadcast %mul3A_356 : f32 to vector<16xf32>
        %mul3A_358 = arith.mulf %mul3A_357, %get3A_316 : vector<16xf32>
        %mul3A_359 = arith.mulf %mul3A_358, %get3A_316 : vector<16xf32>
        %add3A_360 = arith.addf %add3A_355, %mul3A_359 : vector<16xf32>
        %swap3A_361 = arith.constant 0 : i32
        %swap3A_362 = arith.index_cast %swap3A_361 : i32 to index
        %swap3A_363 = arith.constant 0 : index
        %swap3A_364 = tpu.vector_load %arg15[%swap3A_362, %swap3A_363] {strides = array<i32>} : memref<4x16xf32, #tpu.memory_space<vmem>>, vector<1x16xf32>,
        %swap3A_365 = vector.shape_cast %swap3A_364 : vector<1x16xf32> to vector<16xf32>
        %swap3A_366 = vector.shape_cast %add3A_360 : vector<16xf32> to vector<1x16xf32>
        tpu.vector_store %arg15[%swap3A_362, %swap3A_363], %swap3A_366 {strides = array<i32>} : memref<4x16xf32, #tpu.memory_space<vmem>>, vector<1x16xf32>,
        %get3A_367 = arith.index_cast %mul3A_302 : i32 to index
        %get3A_368 = arith.constant 16 : index
        %get3A_369 = tpu.vector_load %arg10[%get3A_367, %get3A_368] {strides = array<i32>} : memref<1280x64xf32, #tpu.memory_space<vmem>>, vector<1x16xf32>,
        %get3A_370 = vector.shape_cast %get3A_369 : vector<1x16xf32> to vector<16xf32>
        %mul3A_371 = arith.mulf %get3A_370, %get3A_370 : vector<16xf32>
        %scan3A_372 = arith.constant 1 : i32
        %scan3A_373 = arith.constant 19 : i32
        %scan3A_374 = arith.addi %scan3A_372, %scan3A_373 : i32
        %scan3A_375 = arith.constant 1 : i32
        %scan3A_376:4 = scf.for %scan3A_562 = %scan3A_372 to %scan3A_374 step %scan3A_375 iter_args(%scan3A_563 = %get3A_370, %scan3A_564 = %get3A_370, %scan3A_565 = %get3A_370, %scan3A_566 = %mul3A_371) -> (vector<16xf32>, vector<16xf32>, vector<16xf32>, vector<16xf32>)  : i32 {
          %add3A_567 = arith.addi %mul3A_302, %scan3A_562 : i32
          %get3A_568 = arith.index_cast %add3A_567 : i32 to index
          %get3A_569 = arith.constant 16 : index
          %get3A_570 = tpu.vector_load %arg10[%get3A_568, %get3A_569] {strides = array<i32>} : memref<1280x64xf32, #tpu.memory_space<vmem>>, vector<1x16xf32>,
          %get3A_571 = vector.shape_cast %get3A_570 : vector<1x16xf32> to vector<16xf32>
          %max3A = arith.maximumf %scan3A_563, %get3A_571 : vector<16xf32>
          %min3A = arith.minimumf %scan3A_564, %get3A_571 : vector<16xf32>
          %add3A_572 = arith.addf %scan3A_565, %get3A_571 : vector<16xf32>
          %mul3A_573 = arith.mulf %get3A_571, %get3A_571 : vector<16xf32>
          %add3A_574 = arith.addf %scan3A_566, %mul3A_573 : vector<16xf32>
          scf.yield %max3A, %min3A, %add3A_572, %add3A_574 : vector<16xf32>, vector<16xf32>, vector<16xf32>, vector<16xf32>
        }
        %scan3A_377 = arith.constant 19 : i32
        %get3A_378 = arith.index_cast %scan3A_300 : i32 to index
        %get3A_379 = arith.constant 16 : index
        %get3A_380 = tpu.vector_load %arg11[%get3A_378, %get3A_379] {strides = array<i32>} : memref<64x64xf32, #tpu.memory_space<vmem>>, vector<1x16xf32>,
        %get3A_381 = vector.shape_cast %get3A_380 : vector<1x16xf32> to vector<16xf32>
        %add3A_382 = arith.addf %scan3A_376#0, %get3A_381 : vector<16xf32>
        %swap3A_383 = arith.index_cast %scan3A_300 : i32 to index
        %swap3A_384 = arith.constant 16 : index
        %swap3A_385 = tpu.vector_load %arg12[%swap3A_383, %swap3A_384] {strides = array<i32>} : memref<64x64xf32, #tpu.memory_space<vmem>>, vector<1x16xf32>,
        %swap3A_386 = vector.shape_cast %swap3A_385 : vector<1x16xf32> to vector<16xf32>
        %swap3A_387 = vector.shape_cast %add3A_382 : vector<16xf32> to vector<1x16xf32>
        tpu.vector_store %arg12[%swap3A_383, %swap3A_384], %swap3A_387 {strides = array<i32>} : memref<64x64xf32, #tpu.memory_space<vmem>>, vector<1x16xf32>,
        %add3A_388 = arith.addf %scan3A_376#1, %get3A_381 : vector<16xf32>
        %swap3A_389 = arith.index_cast %scan3A_300 : i32 to index
        %swap3A_390 = arith.constant 16 : index
        %swap3A_391 = tpu.vector_load %arg13[%swap3A_389, %swap3A_390] {strides = array<i32>} : memref<64x64xf32, #tpu.memory_space<vmem>>, vector<1x16xf32>,
        %swap3A_392 = vector.shape_cast %swap3A_391 : vector<1x16xf32> to vector<16xf32>
        %swap3A_393 = vector.shape_cast %add3A_388 : vector<16xf32> to vector<1x16xf32>
        tpu.vector_store %arg13[%swap3A_389, %swap3A_390], %swap3A_393 {strides = array<i32>} : memref<64x64xf32, #tpu.memory_space<vmem>>, vector<1x16xf32>,
        %get3A_394 = arith.constant 1 : i32
        %get3A_395 = arith.index_cast %get3A_394 : i32 to index
        %get3A_396 = arith.constant 0 : index
        %get3A_397 = tpu.vector_load %arg14[%get3A_395, %get3A_396] {strides = array<i32>} : memref<4x16xf32, #tpu.memory_space<vmem>>, vector<1x16xf32>,
        %get3A_398 = vector.shape_cast %get3A_397 : vector<1x16xf32> to vector<16xf32>
        %add3A_399 = arith.addf %get3A_398, %scan3A_376#2 : vector<16xf32>
        %mul3A_400 = arith.constant 2.000000e+01 : f32
        %mul3A_401 = vector.broadcast %mul3A_400 : f32 to vector<16xf32>
        %mul3A_402 = arith.mulf %mul3A_401, %get3A_381 : vector<16xf32>
        %add3A_403 = arith.addf %add3A_399, %mul3A_402 : vector<16xf32>
        %swap3A_404 = arith.constant 1 : i32
        %swap3A_405 = arith.index_cast %swap3A_404 : i32 to index
        %swap3A_406 = arith.constant 0 : index
        %swap3A_407 = tpu.vector_load %arg14[%swap3A_405, %swap3A_406] {strides = array<i32>} : memref<4x16xf32, #tpu.memory_space<vmem>>, vector<1x16xf32>,
        %swap3A_408 = vector.shape_cast %swap3A_407 : vector<1x16xf32> to vector<16xf32>
        %swap3A_409 = vector.shape_cast %add3A_403 : vector<16xf32> to vector<1x16xf32>
        tpu.vector_store %arg14[%swap3A_405, %swap3A_406], %swap3A_409 {strides = array<i32>} : memref<4x16xf32, #tpu.memory_space<vmem>>, vector<1x16xf32>,
        %get3A_410 = arith.constant 1 : i32
        %get3A_411 = arith.index_cast %get3A_410 : i32 to index
        %get3A_412 = arith.constant 0 : index
        %get3A_413 = tpu.vector_load %arg15[%get3A_411, %get3A_412] {strides = array<i32>} : memref<4x16xf32, #tpu.memory_space<vmem>>, vector<1x16xf32>,
        %get3A_414 = vector.shape_cast %get3A_413 : vector<1x16xf32> to vector<16xf32>
        %add3A_415 = arith.addf %get3A_414, %scan3A_376#3 : vector<16xf32>
        %mul3A_416 = arith.constant 2.000000e+00 : f32
        %mul3A_417 = vector.broadcast %mul3A_416 : f32 to vector<16xf32>
        %mul3A_418 = arith.mulf %mul3A_417, %get3A_381 : vector<16xf32>
        %mul3A_419 = arith.mulf %mul3A_418, %scan3A_376#2 : vector<16xf32>
        %add3A_420 = arith.addf %add3A_415, %mul3A_419 : vector<16xf32>
        %mul3A_421 = arith.constant 2.000000e+01 : f32
        %mul3A_422 = vector.broadcast %mul3A_421 : f32 to vector<16xf32>
        %mul3A_423 = arith.mulf %mul3A_422, %get3A_381 : vector<16xf32>
        %mul3A_424 = arith.mulf %mul3A_423, %get3A_381 : vector<16xf32>
        %add3A_425 = arith.addf %add3A_420, %mul3A_424 : vector<16xf32>
        %swap3A_426 = arith.constant 1 : i32
        %swap3A_427 = arith.index_cast %swap3A_426 : i32 to index
        %swap3A_428 = arith.constant 0 : index
        %swap3A_429 = tpu.vector_load %arg15[%swap3A_427, %swap3A_428] {strides = array<i32>} : memref<4x16xf32, #tpu.memory_space<vmem>>, vector<1x16xf32>,
        %swap3A_430 = vector.shape_cast %swap3A_429 : vector<1x16xf32> to vector<16xf32>
        %swap3A_431 = vector.shape_cast %add3A_425 : vector<16xf32> to vector<1x16xf32>
        tpu.vector_store %arg15[%swap3A_427, %swap3A_428], %swap3A_431 {strides = array<i32>} : memref<4x16xf32, #tpu.memory_space<vmem>>, vector<1x16xf32>,
        %get3A_432 = arith.index_cast %mul3A_302 : i32 to index
        %get3A_433 = arith.constant 32 : index
        %get3A_434 = tpu.vector_load %arg10[%get3A_432, %get3A_433] {strides = array<i32>} : memref<1280x64xf32, #tpu.memory_space<vmem>>, vector<1x16xf32>,
        %get3A_435 = vector.shape_cast %get3A_434 : vector<1x16xf32> to vector<16xf32>
        %mul3A_436 = arith.mulf %get3A_435, %get3A_435 : vector<16xf32>
        %scan3A_437 = arith.constant 1 : i32
        %scan3A_438 = arith.constant 19 : i32
        %scan3A_439 = arith.addi %scan3A_437, %scan3A_438 : i32
        %scan3A_440 = arith.constant 1 : i32
        %scan3A_441:4 = scf.for %scan3A_562 = %scan3A_437 to %scan3A_439 step %scan3A_440 iter_args(%scan3A_563 = %get3A_435, %scan3A_564 = %get3A_435, %scan3A_565 = %get3A_435, %scan3A_566 = %mul3A_436) -> (vector<16xf32>, vector<16xf32>, vector<16xf32>, vector<16xf32>)  : i32 {
          %add3A_567 = arith.addi %mul3A_302, %scan3A_562 : i32
          %get3A_568 = arith.index_cast %add3A_567 : i32 to index
          %get3A_569 = arith.constant 32 : index
          %get3A_570 = tpu.vector_load %arg10[%get3A_568, %get3A_569] {strides = array<i32>} : memref<1280x64xf32, #tpu.memory_space<vmem>>, vector<1x16xf32>,
          %get3A_571 = vector.shape_cast %get3A_570 : vector<1x16xf32> to vector<16xf32>
          %max3A = arith.maximumf %scan3A_563, %get3A_571 : vector<16xf32>
          %min3A = arith.minimumf %scan3A_564, %get3A_571 : vector<16xf32>
          %add3A_572 = arith.addf %scan3A_565, %get3A_571 : vector<16xf32>
          %mul3A_573 = arith.mulf %get3A_571, %get3A_571 : vector<16xf32>
          %add3A_574 = arith.addf %scan3A_566, %mul3A_573 : vector<16xf32>
          scf.yield %max3A, %min3A, %add3A_572, %add3A_574 : vector<16xf32>, vector<16xf32>, vector<16xf32>, vector<16xf32>
        }
        %scan3A_442 = arith.constant 19 : i32
        %get3A_443 = arith.index_cast %scan3A_300 : i32 to index
        %get3A_444 = arith.constant 32 : index
        %get3A_445 = tpu.vector_load %arg11[%get3A_443, %get3A_444] {strides = array<i32>} : memref<64x64xf32, #tpu.memory_space<vmem>>, vector<1x16xf32>,
        %get3A_446 = vector.shape_cast %get3A_445 : vector<1x16xf32> to vector<16xf32>
        %add3A_447 = arith.addf %scan3A_441#0, %get3A_446 : vector<16xf32>
        %swap3A_448 = arith.index_cast %scan3A_300 : i32 to index
        %swap3A_449 = arith.constant 32 : index
        %swap3A_450 = tpu.vector_load %arg12[%swap3A_448, %swap3A_449] {strides = array<i32>} : memref<64x64xf32, #tpu.memory_space<vmem>>, vector<1x16xf32>,
        %swap3A_451 = vector.shape_cast %swap3A_450 : vector<1x16xf32> to vector<16xf32>
        %swap3A_452 = vector.shape_cast %add3A_447 : vector<16xf32> to vector<1x16xf32>
        tpu.vector_store %arg12[%swap3A_448, %swap3A_449], %swap3A_452 {strides = array<i32>} : memref<64x64xf32, #tpu.memory_space<vmem>>, vector<1x16xf32>,
        %add3A_453 = arith.addf %scan3A_441#1, %get3A_446 : vector<16xf32>
        %swap3A_454 = arith.index_cast %scan3A_300 : i32 to index
        %swap3A_455 = arith.constant 32 : index
        %swap3A_456 = tpu.vector_load %arg13[%swap3A_454, %swap3A_455] {strides = array<i32>} : memref<64x64xf32, #tpu.memory_space<vmem>>, vector<1x16xf32>,
        %swap3A_457 = vector.shape_cast %swap3A_456 : vector<1x16xf32> to vector<16xf32>
        %swap3A_458 = vector.shape_cast %add3A_453 : vector<16xf32> to vector<1x16xf32>
        tpu.vector_store %arg13[%swap3A_454, %swap3A_455], %swap3A_458 {strides = array<i32>} : memref<64x64xf32, #tpu.memory_space<vmem>>, vector<1x16xf32>,
        %get3A_459 = arith.constant 2 : i32
        %get3A_460 = arith.index_cast %get3A_459 : i32 to index
        %get3A_461 = arith.constant 0 : index
        %get3A_462 = tpu.vector_load %arg14[%get3A_460, %get3A_461] {strides = array<i32>} : memref<4x16xf32, #tpu.memory_space<vmem>>, vector<1x16xf32>,
        %get3A_463 = vector.shape_cast %get3A_462 : vector<1x16xf32> to vector<16xf32>
        %add3A_464 = arith.addf %get3A_463, %scan3A_441#2 : vector<16xf32>
        %mul3A_465 = arith.constant 2.000000e+01 : f32
        %mul3A_466 = vector.broadcast %mul3A_465 : f32 to vector<16xf32>
        %mul3A_467 = arith.mulf %mul3A_466, %get3A_446 : vector<16xf32>
        %add3A_468 = arith.addf %add3A_464, %mul3A_467 : vector<16xf32>
        %swap3A_469 = arith.constant 2 : i32
        %swap3A_470 = arith.index_cast %swap3A_469 : i32 to index
        %swap3A_471 = arith.constant 0 : index
        %swap3A_472 = tpu.vector_load %arg14[%swap3A_470, %swap3A_471] {strides = array<i32>} : memref<4x16xf32, #tpu.memory_space<vmem>>, vector<1x16xf32>,
        %swap3A_473 = vector.shape_cast %swap3A_472 : vector<1x16xf32> to vector<16xf32>
        %swap3A_474 = vector.shape_cast %add3A_468 : vector<16xf32> to vector<1x16xf32>
        tpu.vector_store %arg14[%swap3A_470, %swap3A_471], %swap3A_474 {strides = array<i32>} : memref<4x16xf32, #tpu.memory_space<vmem>>, vector<1x16xf32>,
        %get3A_475 = arith.constant 2 : i32
        %get3A_476 = arith.index_cast %get3A_475 : i32 to index
        %get3A_477 = arith.constant 0 : index
        %get3A_478 = tpu.vector_load %arg15[%get3A_476, %get3A_477] {strides = array<i32>} : memref<4x16xf32, #tpu.memory_space<vmem>>, vector<1x16xf32>,
        %get3A_479 = vector.shape_cast %get3A_478 : vector<1x16xf32> to vector<16xf32>
        %add3A_480 = arith.addf %get3A_479, %scan3A_441#3 : vector<16xf32>
        %mul3A_481 = arith.constant 2.000000e+00 : f32
        %mul3A_482 = vector.broadcast %mul3A_481 : f32 to vector<16xf32>
        %mul3A_483 = arith.mulf %mul3A_482, %get3A_446 : vector<16xf32>
        %mul3A_484 = arith.mulf %mul3A_483, %scan3A_441#2 : vector<16xf32>
        %add3A_485 = arith.addf %add3A_480, %mul3A_484 : vector<16xf32>
        %mul3A_486 = arith.constant 2.000000e+01 : f32
        %mul3A_487 = vector.broadcast %mul3A_486 : f32 to vector<16xf32>
        %mul3A_488 = arith.mulf %mul3A_487, %get3A_446 : vector<16xf32>
        %mul3A_489 = arith.mulf %mul3A_488, %get3A_446 : vector<16xf32>
        %add3A_490 = arith.addf %add3A_485, %mul3A_489 : vector<16xf32>
        %swap3A_491 = arith.constant 2 : i32
        %swap3A_492 = arith.index_cast %swap3A_491 : i32 to index
        %swap3A_493 = arith.constant 0 : index
        %swap3A_494 = tpu.vector_load %arg15[%swap3A_492, %swap3A_493] {strides = array<i32>} : memref<4x16xf32, #tpu.memory_space<vmem>>, vector<1x16xf32>,
        %swap3A_495 = vector.shape_cast %swap3A_494 : vector<1x16xf32> to vector<16xf32>
        %swap3A_496 = vector.shape_cast %add3A_490 : vector<16xf32> to vector<1x16xf32>
        tpu.vector_store %arg15[%swap3A_492, %swap3A_493], %swap3A_496 {strides = array<i32>} : memref<4x16xf32, #tpu.memory_space<vmem>>, vector<1x16xf32>,
        %get3A_497 = arith.index_cast %mul3A_302 : i32 to index
        %get3A_498 = arith.constant 48 : index
        %get3A_499 = tpu.vector_load %arg10[%get3A_497, %get3A_498] {strides = array<i32>} : memref<1280x64xf32, #tpu.memory_space<vmem>>, vector<1x16xf32>,
        %get3A_500 = vector.shape_cast %get3A_499 : vector<1x16xf32> to vector<16xf32>
        %mul3A_501 = arith.mulf %get3A_500, %get3A_500 : vector<16xf32>
        %scan3A_502 = arith.constant 1 : i32
        %scan3A_503 = arith.constant 19 : i32
        %scan3A_504 = arith.addi %scan3A_502, %scan3A_503 : i32
        %scan3A_505 = arith.constant 1 : i32
        %scan3A_506:4 = scf.for %scan3A_562 = %scan3A_502 to %scan3A_504 step %scan3A_505 iter_args(%scan3A_563 = %get3A_500, %scan3A_564 = %get3A_500, %scan3A_565 = %get3A_500, %scan3A_566 = %mul3A_501) -> (vector<16xf32>, vector<16xf32>, vector<16xf32>, vector<16xf32>)  : i32 {
          %add3A_567 = arith.addi %mul3A_302, %scan3A_562 : i32
          %get3A_568 = arith.index_cast %add3A_567 : i32 to index
          %get3A_569 = arith.constant 48 : index
          %get3A_570 = tpu.vector_load %arg10[%get3A_568, %get3A_569] {strides = array<i32>} : memref<1280x64xf32, #tpu.memory_space<vmem>>, vector<1x16xf32>,
          %get3A_571 = vector.shape_cast %get3A_570 : vector<1x16xf32> to vector<16xf32>
          %max3A = arith.maximumf %scan3A_563, %get3A_571 : vector<16xf32>
          %min3A = arith.minimumf %scan3A_564, %get3A_571 : vector<16xf32>
          %add3A_572 = arith.addf %scan3A_565, %get3A_571 : vector<16xf32>
          %mul3A_573 = arith.mulf %get3A_571, %get3A_571 : vector<16xf32>
          %add3A_574 = arith.addf %scan3A_566, %mul3A_573 : vector<16xf32>
          scf.yield %max3A, %min3A, %add3A_572, %add3A_574 : vector<16xf32>, vector<16xf32>, vector<16xf32>, vector<16xf32>
        }
        %scan3A_507 = arith.constant 19 : i32
        %get3A_508 = arith.index_cast %scan3A_300 : i32 to index
        %get3A_509 = arith.constant 48 : index
        %get3A_510 = tpu.vector_load %arg11[%get3A_508, %get3A_509] {strides = array<i32>} : memref<64x64xf32, #tpu.memory_space<vmem>>, vector<1x16xf32>,
        %get3A_511 = vector.shape_cast %get3A_510 : vector<1x16xf32> to vector<16xf32>
        %add3A_512 = arith.addf %scan3A_506#0, %get3A_511 : vector<16xf32>
        %swap3A_513 = arith.index_cast %scan3A_300 : i32 to index
        %swap3A_514 = arith.constant 48 : index
        %swap3A_515 = tpu.vector_load %arg12[%swap3A_513, %swap3A_514] {strides = array<i32>} : memref<64x64xf32, #tpu.memory_space<vmem>>, vector<1x16xf32>,
        %swap3A_516 = vector.shape_cast %swap3A_515 : vector<1x16xf32> to vector<16xf32>
        %swap3A_517 = vector.shape_cast %add3A_512 : vector<16xf32> to vector<1x16xf32>
        tpu.vector_store %arg12[%swap3A_513, %swap3A_514], %swap3A_517 {strides = array<i32>} : memref<64x64xf32, #tpu.memory_space<vmem>>, vector<1x16xf32>,
        %add3A_518 = arith.addf %scan3A_506#1, %get3A_511 : vector<16xf32>
        %swap3A_519 = arith.index_cast %scan3A_300 : i32 to index
        %swap3A_520 = arith.constant 48 : index
        %swap3A_521 = tpu.vector_load %arg13[%swap3A_519, %swap3A_520] {strides = array<i32>} : memref<64x64xf32, #tpu.memory_space<vmem>>, vector<1x16xf32>,
        %swap3A_522 = vector.shape_cast %swap3A_521 : vector<1x16xf32> to vector<16xf32>
        %swap3A_523 = vector.shape_cast %add3A_518 : vector<16xf32> to vector<1x16xf32>
        tpu.vector_store %arg13[%swap3A_519, %swap3A_520], %swap3A_523 {strides = array<i32>} : memref<64x64xf32, #tpu.memory_space<vmem>>, vector<1x16xf32>,
        %get3A_524 = arith.constant 3 : i32
        %get3A_525 = arith.index_cast %get3A_524 : i32 to index
        %get3A_526 = arith.constant 0 : index
        %get3A_527 = tpu.vector_load %arg14[%get3A_525, %get3A_526] {strides = array<i32>} : memref<4x16xf32, #tpu.memory_space<vmem>>, vector<1x16xf32>,
        %get3A_528 = vector.shape_cast %get3A_527 : vector<1x16xf32> to vector<16xf32>
        %add3A_529 = arith.addf %get3A_528, %scan3A_506#2 : vector<16xf32>
        %mul3A_530 = arith.constant 2.000000e+01 : f32
        %mul3A_531 = vector.broadcast %mul3A_530 : f32 to vector<16xf32>
        %mul3A_532 = arith.mulf %mul3A_531, %get3A_511 : vector<16xf32>
        %add3A_533 = arith.addf %add3A_529, %mul3A_532 : vector<16xf32>
        %swap3A_534 = arith.constant 3 : i32
        %swap3A_535 = arith.index_cast %swap3A_534 : i32 to index
        %swap3A_536 = arith.constant 0 : index
        %swap3A_537 = tpu.vector_load %arg14[%swap3A_535, %swap3A_536] {strides = array<i32>} : memref<4x16xf32, #tpu.memory_space<vmem>>, vector<1x16xf32>,
        %swap3A_538 = vector.shape_cast %swap3A_537 : vector<1x16xf32> to vector<16xf32>
        %swap3A_539 = vector.shape_cast %add3A_533 : vector<16xf32> to vector<1x16xf32>
        tpu.vector_store %arg14[%swap3A_535, %swap3A_536], %swap3A_539 {strides = array<i32>} : memref<4x16xf32, #tpu.memory_space<vmem>>, vector<1x16xf32>,
        %get3A_540 = arith.constant 3 : i32
        %get3A_541 = arith.index_cast %get3A_540 : i32 to index
        %get3A_542 = arith.constant 0 : index
        %get3A_543 = tpu.vector_load %arg15[%get3A_541, %get3A_542] {strides = array<i32>} : memref<4x16xf32, #tpu.memory_space<vmem>>, vector<1x16xf32>,
        %get3A_544 = vector.shape_cast %get3A_543 : vector<1x16xf32> to vector<16xf32>
        %add3A_545 = arith.addf %get3A_544, %scan3A_506#3 : vector<16xf32>
        %mul3A_546 = arith.constant 2.000000e+00 : f32
        %mul3A_547 = vector.broadcast %mul3A_546 : f32 to vector<16xf32>
        %mul3A_548 = arith.mulf %mul3A_547, %get3A_511 : vector<16xf32>
        %mul3A_549 = arith.mulf %mul3A_548, %scan3A_506#2 : vector<16xf32>
        %add3A_550 = arith.addf %add3A_545, %mul3A_549 : vector<16xf32>
        %mul3A_551 = arith.constant 2.000000e+01 : f32
        %mul3A_552 = vector.broadcast %mul3A_551 : f32 to vector<16xf32>
        %mul3A_553 = arith.mulf %mul3A_552, %get3A_511 : vector<16xf32>
        %mul3A_554 = arith.mulf %mul3A_553, %get3A_511 : vector<16xf32>
        %add3A_555 = arith.addf %add3A_550, %mul3A_554 : vector<16xf32>
        %swap3A_556 = arith.constant 3 : i32
        %swap3A_557 = arith.index_cast %swap3A_556 : i32 to index
        %swap3A_558 = arith.constant 0 : index
        %swap3A_559 = tpu.vector_load %arg15[%swap3A_557, %swap3A_558] {strides = array<i32>} : memref<4x16xf32, #tpu.memory_space<vmem>>, vector<1x16xf32>,
        %swap3A_560 = vector.shape_cast %swap3A_559 : vector<1x16xf32> to vector<16xf32>
        %swap3A_561 = vector.shape_cast %add3A_555 : vector<16xf32> to vector<1x16xf32>
        tpu.vector_store %arg15[%swap3A_557, %swap3A_558], %swap3A_561 {strides = array<i32>} : memref<4x16xf32, #tpu.memory_space<vmem>>, vector<1x16xf32>,
      }
      %scan3A_299 = arith.constant 64 : i32
      "tpu.region"() ({
        %run_scoped3A = tpu.sem_alloc : memref<!tpu.dma_semaphore, #tpu.memory_space<semaphore_mem>>
        %dma_start3A_300 = arith.constant 0 : i32
        %dma_start3A_301 = tpu.memref_slice %arg5[%add3A_75, %dma_start3A_300] : memref<16384x64xf32, #tpu.memory_space<hbm>> -> memref<64x64xf32, #tpu.memory_space<hbm>>
        %dma_start3A_302 = arith.constant 0 : i32
        %dma_start3A_303 = tpu.memref_slice %arg5[%add3A_75, %dma_start3A_302] : memref<16384x64xf32, #tpu.memory_space<hbm>> -> memref<64x64xf32, #tpu.memory_space<hbm>>
        tpu.enqueue_dma source(%arg12 : memref<64x64xf32, #tpu.memory_space<vmem>>) target(%dma_start3A_303 : memref<64x64xf32, #tpu.memory_space<hbm>>) target_semaphore(%run_scoped3A : memref<!tpu.dma_semaphore, #tpu.memory_space<semaphore_mem>>)
        %dma_wait3A_304 = arith.constant 0 : i32
        %dma_wait3A_305 = tpu.memref_slice %arg5[%add3A_75, %dma_wait3A_304] : memref<16384x64xf32, #tpu.memory_space<hbm>> -> memref<64x64xf32, #tpu.memory_space<hbm>>
        %dma_wait3A_306 = arith.constant 0 : i32
        %dma_wait3A_307 = tpu.memref_slice %arg5[%add3A_75, %dma_wait3A_306] : memref<16384x64xf32, #tpu.memory_space<hbm>> -> memref<64x64xf32, #tpu.memory_space<hbm>>
        tpu.wait_dma2 semaphore(%run_scoped3A : memref<!tpu.dma_semaphore, #tpu.memory_space<semaphore_mem>>) src(%arg12 : memref<64x64xf32, #tpu.memory_space<vmem>>) dst(%dma_wait3A_307 : memref<64x64xf32, #tpu.memory_space<hbm>>)
        tpu.yield
      }) : () -> ()
      "tpu.region"() ({
        %run_scoped3A = tpu.sem_alloc : memref<!tpu.dma_semaphore, #tpu.memory_space<semaphore_mem>>
        %dma_start3A_300 = arith.constant 0 : i32
        %dma_start3A_301 = tpu.memref_slice %arg6[%add3A_75, %dma_start3A_300] : memref<16384x64xf32, #tpu.memory_space<hbm>> -> memref<64x64xf32, #tpu.memory_space<hbm>>
        %dma_start3A_302 = arith.constant 0 : i32
        %dma_start3A_303 = tpu.memref_slice %arg6[%add3A_75, %dma_start3A_302] : memref<16384x64xf32, #tpu.memory_space<hbm>> -> memref<64x64xf32, #tpu.memory_space<hbm>>
        tpu.enqueue_dma source(%arg13 : memref<64x64xf32, #tpu.memory_space<vmem>>) target(%dma_start3A_303 : memref<64x64xf32, #tpu.memory_space<hbm>>) target_semaphore(%run_scoped3A : memref<!tpu.dma_semaphore, #tpu.memory_space<semaphore_mem>>)
        %dma_wait3A_304 = arith.constant 0 : i32
        %dma_wait3A_305 = tpu.memref_slice %arg6[%add3A_75, %dma_wait3A_304] : memref<16384x64xf32, #tpu.memory_space<hbm>> -> memref<64x64xf32, #tpu.memory_space<hbm>>
        %dma_wait3A_306 = arith.constant 0 : i32
        %dma_wait3A_307 = tpu.memref_slice %arg6[%add3A_75, %dma_wait3A_306] : memref<16384x64xf32, #tpu.memory_space<hbm>> -> memref<64x64xf32, #tpu.memory_space<hbm>>
        tpu.wait_dma2 semaphore(%run_scoped3A : memref<!tpu.dma_semaphore, #tpu.memory_space<semaphore_mem>>) src(%arg13 : memref<64x64xf32, #tpu.memory_space<vmem>>) dst(%dma_wait3A_307 : memref<64x64xf32, #tpu.memory_space<hbm>>)
        tpu.yield
      }) : () -> ()
    }
    %scan3A_69 = arith.constant 8 : i32
    "tpu.region"() ({
      %run_scoped3A = tpu.sem_alloc : memref<!tpu.dma_semaphore, #tpu.memory_space<semaphore_mem>>
      %dma_start3A = arith.constant 0 : i32
      %dma_start3A_70 = arith.constant 0 : i32
      %dma_start3A_71 = tpu.memref_slice %arg7[%add3A, %dma_start3A, %dma_start3A_70] : memref<32x4x16xf32, #tpu.memory_space<hbm>> -> memref<1x4x16xf32, #tpu.memory_space<hbm>>
      %dma_start3A_72 = tpu.memref_squeeze %dma_start3A_71 : memref<1x4x16xf32, #tpu.memory_space<hbm>> -> memref<4x16xf32, #tpu.memory_space<hbm>>
      %dma_start3A_73 = arith.constant 0 : i32
      %dma_start3A_74 = arith.constant 0 : i32
      %dma_start3A_75 = tpu.memref_slice %arg7[%add3A, %dma_start3A_73, %dma_start3A_74] : memref<32x4x16xf32, #tpu.memory_space<hbm>> -> memref<1x4x16xf32, #tpu.memory_space<hbm>>
      %dma_start3A_76 = tpu.memref_squeeze %dma_start3A_75 : memref<1x4x16xf32, #tpu.memory_space<hbm>> -> memref<4x16xf32, #tpu.memory_space<hbm>>
      tpu.enqueue_dma source(%arg14 : memref<4x16xf32, #tpu.memory_space<vmem>>) target(%dma_start3A_76 : memref<4x16xf32, #tpu.memory_space<hbm>>) target_semaphore(%run_scoped3A : memref<!tpu.dma_semaphore, #tpu.memory_space<semaphore_mem>>)
      %dma_wait3A = arith.constant 0 : i32
      %dma_wait3A_77 = arith.constant 0 : i32
      %dma_wait3A_78 = tpu.memref_slice %arg7[%add3A, %dma_wait3A, %dma_wait3A_77] : memref<32x4x16xf32, #tpu.memory_space<hbm>> -> memref<1x4x16xf32, #tpu.memory_space<hbm>>
      %dma_wait3A_79 = tpu.memref_squeeze %dma_wait3A_78 : memref<1x4x16xf32, #tpu.memory_space<hbm>> -> memref<4x16xf32, #tpu.memory_space<hbm>>
      %dma_wait3A_80 = arith.constant 0 : i32
      %dma_wait3A_81 = arith.constant 0 : i32
      %dma_wait3A_82 = tpu.memref_slice %arg7[%add3A, %dma_wait3A_80, %dma_wait3A_81] : memref<32x4x16xf32, #tpu.memory_space<hbm>> -> memref<1x4x16xf32, #tpu.memory_space<hbm>>
      %dma_wait3A_83 = tpu.memref_squeeze %dma_wait3A_82 : memref<1x4x16xf32, #tpu.memory_space<hbm>> -> memref<4x16xf32, #tpu.memory_space<hbm>>
      tpu.wait_dma2 semaphore(%run_scoped3A : memref<!tpu.dma_semaphore, #tpu.memory_space<semaphore_mem>>) src(%arg14 : memref<4x16xf32, #tpu.memory_space<vmem>>) dst(%dma_wait3A_83 : memref<4x16xf32, #tpu.memory_space<hbm>>)
      tpu.yield
    }) : () -> ()
    "tpu.region"() ({
      %run_scoped3A = tpu.sem_alloc : memref<!tpu.dma_semaphore, #tpu.memory_space<semaphore_mem>>
      %dma_start3A = arith.constant 0 : i32
      %dma_start3A_70 = arith.constant 0 : i32
      %dma_start3A_71 = tpu.memref_slice %arg8[%add3A, %dma_start3A, %dma_start3A_70] : memref<32x4x16xf32, #tpu.memory_space<hbm>> -> memref<1x4x16xf32, #tpu.memory_space<hbm>>
      %dma_start3A_72 = tpu.memref_squeeze %dma_start3A_71 : memref<1x4x16xf32, #tpu.memory_space<hbm>> -> memref<4x16xf32, #tpu.memory_space<hbm>>
      %dma_start3A_73 = arith.constant 0 : i32
      %dma_start3A_74 = arith.constant 0 : i32
      %dma_start3A_75 = tpu.memref_slice %arg8[%add3A, %dma_start3A_73, %dma_start3A_74] : memref<32x4x16xf32, #tpu.memory_space<hbm>> -> memref<1x4x16xf32, #tpu.memory_space<hbm>>
      %dma_start3A_76 = tpu.memref_squeeze %dma_start3A_75 : memref<1x4x16xf32, #tpu.memory_space<hbm>> -> memref<4x16xf32, #tpu.memory_space<hbm>>
      tpu.enqueue_dma source(%arg15 : memref<4x16xf32, #tpu.memory_space<vmem>>) target(%dma_start3A_76 : memref<4x16xf32, #tpu.memory_space<hbm>>) target_semaphore(%run_scoped3A : memref<!tpu.dma_semaphore, #tpu.memory_space<semaphore_mem>>)
      %dma_wait3A = arith.constant 0 : i32
      %dma_wait3A_77 = arith.constant 0 : i32
      %dma_wait3A_78 = tpu.memref_slice %arg8[%add3A, %dma_wait3A, %dma_wait3A_77] : memref<32x4x16xf32, #tpu.memory_space<hbm>> -> memref<1x4x16xf32, #tpu.memory_space<hbm>>
      %dma_wait3A_79 = tpu.memref_squeeze %dma_wait3A_78 : memref<1x4x16xf32, #tpu.memory_space<hbm>> -> memref<4x16xf32, #tpu.memory_space<hbm>>
      %dma_wait3A_80 = arith.constant 0 : i32
      %dma_wait3A_81 = arith.constant 0 : i32
      %dma_wait3A_82 = tpu.memref_slice %arg8[%add3A, %dma_wait3A_80, %dma_wait3A_81] : memref<32x4x16xf32, #tpu.memory_space<hbm>> -> memref<1x4x16xf32, #tpu.memory_space<hbm>>
      %dma_wait3A_83 = tpu.memref_squeeze %dma_wait3A_82 : memref<1x4x16xf32, #tpu.memory_space<hbm>> -> memref<4x16xf32, #tpu.memory_space<hbm>>
      tpu.wait_dma2 semaphore(%run_scoped3A : memref<!tpu.dma_semaphore, #tpu.memory_space<semaphore_mem>>) src(%arg15 : memref<4x16xf32, #tpu.memory_space<vmem>>) dst(%dma_wait3A_83 : memref<4x16xf32, #tpu.memory_space<hbm>>)
      tpu.yield
    }) : () -> ()
    return
  }
}

module attributes {stable_mosaic.version = 14 : i64} {
  func.func @_topk_kernel(%arg0: i32, %arg1: i32, %arg2: memref<1x256x32xf32, #tpu.memory_space<vmem>>, %arg3: memref<1x32x2048xf32, #tpu.memory_space<vmem>>, %arg4: memref<32x64xf32, #tpu.memory_space<vmem>>, %arg5: memref<32x64xf32, #tpu.memory_space<vmem>>, %arg6: memref<1x256x20xi32, #tpu.memory_space<vmem>>, %arg7: memref<1x256x64xf32, #tpu.memory_space<vmem>>, %arg8: memref<1x256x64xf32, #tpu.memory_space<vmem>>) attributes {dimension_semantics = [#tpu.dimension_semantics<arbitrary>, #tpu.dimension_semantics<arbitrary>], iteration_bounds = array<i64: 8, 8>, scalar_prefetch = 0 : i64, scratch_operands = 0 : i64, tpu.core_type = #tpu.core_type<tc>, window_params = [{transform_indices = @transform_0, window_bounds = array<i64: 1, 256, 32>}, {transform_indices = @transform_1, window_bounds = array<i64: 1, 32, 2048>}, {pipeline_mode = #tpu.pipeline_mode<synchronous>, transform_indices = @transform_2, window_bounds = array<i64: 32, 64>}, {pipeline_mode = #tpu.pipeline_mode<synchronous>, transform_indices = @transform_3, window_bounds = array<i64: 32, 64>}, {transform_indices = @transform_4, window_bounds = array<i64: 1, 256, 20>}, {transform_indices = @transform_5, window_bounds = array<i64: 1, 256, 64>}, {transform_indices = @transform_6, window_bounds = array<i64: 1, 256, 64>}]} {
    %get3A = arith.constant 0 : index
    %get3A_0 = arith.constant 0 : index
    %get3A_1 = arith.constant 0 : index
    %get3A_2 = vector.load %arg3[%get3A, %get3A_0, %get3A_1] : memref<1x32x2048xf32, #tpu.memory_space<vmem>>, vector<1x32x2048xf32>
    %get3A_3 = vector.shape_cast %get3A_2 : vector<1x32x2048xf32> to vector<32x2048xf32>
    %get3A_4 = arith.constant 0 : index
    %get3A_5 = arith.constant 0 : index
    %get3A_6 = arith.constant 0 : index
    %get3A_7 = vector.load %arg2[%get3A_4, %get3A_5, %get3A_6] : memref<1x256x32xf32, #tpu.memory_space<vmem>>, vector<1x256x32xf32>
    %get3A_8 = vector.shape_cast %get3A_7 : vector<1x256x32xf32> to vector<256x32xf32>
    %dot_general3A = arith.constant dense<0.000000e+00> : vector<256x2048xf32>
    %dot_general3A_9 = tpu.matmul %get3A_8, %get3A_3, %dot_general3A {dimension_numbers = #tpu.dot_dimension_numbers<[1], [0], [0], [1], [0, 0, 1, 1], [], []>, transpose_lhs_hint = false} : vector<256x32xf32>, vector<32x2048xf32>, vector<256x2048xf32> -> vector<256x2048xf32>
    %mul3A = arith.mulf %get3A_8, %get3A_8 : vector<256x32xf32>
    %reduce_sum3A = arith.constant dense<0.000000e+00> : vector<256xf32>
    %reduce_sum3A_10 = vector.multi_reduction <add>, %mul3A, %reduce_sum3A [1] : vector<256x32xf32> to vector<256xf32>
    %broadcast_in_dim3A = vector.shape_cast %reduce_sum3A_10 : vector<256xf32> to vector<256x1xf32>
    %mul3A_11 = arith.mulf %get3A_3, %get3A_3 : vector<32x2048xf32>
    %reduce_sum3A_12 = arith.constant dense<0.000000e+00> : vector<2048xf32>
    %reduce_sum3A_13 = vector.multi_reduction <add>, %mul3A_11, %reduce_sum3A_12 [0] : vector<32x2048xf32> to vector<2048xf32>
    %broadcast_in_dim3A_14 = vector.shape_cast %reduce_sum3A_13 : vector<2048xf32> to vector<1x2048xf32>
    %mul3A_15 = arith.constant 2.000000e+00 : f32
    %mul3A_16 = vector.broadcast %mul3A_15 : f32 to vector<256x2048xf32>
    %mul3A_17 = arith.mulf %mul3A_16, %dot_general3A_9 : vector<256x2048xf32>
    %sub3A = vector.broadcast %broadcast_in_dim3A : vector<256x1xf32> to vector<256x2048xf32>
    %sub3A_18 = arith.subf %mul3A_17, %sub3A : vector<256x2048xf32>
    %sub3A_19 = vector.broadcast %broadcast_in_dim3A_14 : vector<1x2048xf32> to vector<256x2048xf32>
    %sub3A_20 = arith.subf %sub3A_18, %sub3A_19 : vector<256x2048xf32>
    %slice3A = vector.extract_strided_slice %sub3A_20 {offsets = [0, 0], sizes = [256, 1024], strides = [1, 1]} : vector<256x2048xf32> to vector<256x1024xf32>
    %slice3A_21 = vector.extract_strided_slice %sub3A_20 {offsets = [0, 1024], sizes = [256, 1024], strides = [1, 1]} : vector<256x2048xf32> to vector<256x1024xf32>
    %gt3A = arith.cmpf ogt, %slice3A_21, %slice3A : vector<256x1024xf32>
    %select_n3A = arith.select %gt3A, %slice3A_21, %slice3A : vector<256x1024xi1>, vector<256x1024xf32>
    %select_n3A_22 = arith.select %gt3A, %slice3A, %slice3A_21 : vector<256x1024xi1>, vector<256x1024xf32>
    %iota3A = tpu.iota {dimensions = array<i32: 1>} : vector<256x1024xi32>
    %add3A = arith.constant 1024 : i32
    %add3A_23 = vector.broadcast %add3A : i32 to vector<256x1024xi32>
    %add3A_24 = arith.addi %iota3A, %add3A_23 : vector<256x1024xi32>
    %select_n3A_25 = arith.select %gt3A, %add3A_24, %iota3A : vector<256x1024xi1>, vector<256x1024xi32>
    %add3A_26 = arith.constant 1024 : i32
    %add3A_27 = vector.broadcast %add3A_26 : i32 to vector<256x1024xi32>
    %add3A_28 = arith.addi %iota3A, %add3A_27 : vector<256x1024xi32>
    %select_n3A_29 = arith.select %gt3A, %iota3A, %add3A_28 : vector<256x1024xi1>, vector<256x1024xi32>
    %reduce_max3A = arith.constant dense<0xFF800000> : vector<256xf32>
    %reduce_max3A_30 = vector.multi_reduction <maximumf>, %select_n3A, %reduce_max3A [1] : vector<256x1024xf32> to vector<256xf32>
    %broadcast_in_dim3A_31 = vector.shape_cast %reduce_max3A_30 : vector<256xf32> to vector<256x1xf32>
    %eq3A = vector.broadcast %broadcast_in_dim3A_31 : vector<256x1xf32> to vector<256x1024xf32>
    %eq3A_32 = arith.cmpf oeq, %select_n3A, %eq3A : vector<256x1024xf32>
    %jit3A = arith.constant 2048 : i32
    %broadcast_in_dim3A_33 = vector.broadcast %jit3A : i32 to vector<256x1024xi32>
    %select_n3A_34 = arith.select %eq3A_32, %select_n3A_25, %broadcast_in_dim3A_33 : vector<256x1024xi1>, vector<256x1024xi32>
    %reduce_min3A = arith.constant dense<2147483647> : vector<256xi32>
    %reduce_min3A_35 = vector.multi_reduction <minsi>, %select_n3A_34, %reduce_min3A [1] : vector<256x1024xi32> to vector<256xi32>
    %broadcast_in_dim3A_36 = vector.shape_cast %reduce_min3A_35 : vector<256xi32> to vector<256x1xi32>
    %and3A = arith.constant 1023 : i32
    %and3A_37 = vector.broadcast %and3A : i32 to vector<256x1xi32>
    %and3A_38 = arith.andi %broadcast_in_dim3A_36, %and3A_37 : vector<256x1xi32>
    %eq3A_39 = vector.broadcast %and3A_38 : vector<256x1xi32> to vector<256x1024xi32>
    %eq3A_40 = arith.cmpi eq, %iota3A, %eq3A_39 : vector<256x1024xi32>
    %select_n3A_41 = arith.select %eq3A_40, %select_n3A_22, %select_n3A : vector<256x1024xi1>, vector<256x1024xf32>
    %select_n3A_42 = arith.select %eq3A_40, %select_n3A_29, %select_n3A_25 : vector<256x1024xi1>, vector<256x1024xi32>
    %jit3A_43 = arith.constant -3.000000e+38 : f32
    %broadcast_in_dim3A_44 = vector.broadcast %jit3A_43 : f32 to vector<256x1024xf32>
    %select_n3A_45 = arith.select %eq3A_40, %broadcast_in_dim3A_44, %select_n3A_22 : vector<256x1024xi1>, vector<256x1024xf32>
    %reduce_max3A_46 = arith.constant dense<0xFF800000> : vector<256xf32>
    %reduce_max3A_47 = vector.multi_reduction <maximumf>, %select_n3A_41, %reduce_max3A_46 [1] : vector<256x1024xf32> to vector<256xf32>
    %broadcast_in_dim3A_48 = vector.shape_cast %reduce_max3A_47 : vector<256xf32> to vector<256x1xf32>
    %eq3A_49 = vector.broadcast %broadcast_in_dim3A_48 : vector<256x1xf32> to vector<256x1024xf32>
    %eq3A_50 = arith.cmpf oeq, %select_n3A_41, %eq3A_49 : vector<256x1024xf32>
    %jit3A_51 = arith.constant 2048 : i32
    %broadcast_in_dim3A_52 = vector.broadcast %jit3A_51 : i32 to vector<256x1024xi32>
    %select_n3A_53 = arith.select %eq3A_50, %select_n3A_42, %broadcast_in_dim3A_52 : vector<256x1024xi1>, vector<256x1024xi32>
    %reduce_min3A_54 = arith.constant dense<2147483647> : vector<256xi32>
    %reduce_min3A_55 = vector.multi_reduction <minsi>, %select_n3A_53, %reduce_min3A_54 [1] : vector<256x1024xi32> to vector<256xi32>
    %broadcast_in_dim3A_56 = vector.shape_cast %reduce_min3A_55 : vector<256xi32> to vector<256x1xi32>
    %and3A_57 = arith.constant 1023 : i32
    %and3A_58 = vector.broadcast %and3A_57 : i32 to vector<256x1xi32>
    %and3A_59 = arith.andi %broadcast_in_dim3A_56, %and3A_58 : vector<256x1xi32>
    %eq3A_60 = vector.broadcast %and3A_59 : vector<256x1xi32> to vector<256x1024xi32>
    %eq3A_61 = arith.cmpi eq, %iota3A, %eq3A_60 : vector<256x1024xi32>
    %select_n3A_62 = arith.select %eq3A_61, %select_n3A_45, %select_n3A_41 : vector<256x1024xi1>, vector<256x1024xf32>
    %select_n3A_63 = arith.select %eq3A_61, %select_n3A_29, %select_n3A_42 : vector<256x1024xi1>, vector<256x1024xi32>
    %jit3A_64 = arith.constant -3.000000e+38 : f32
    %broadcast_in_dim3A_65 = vector.broadcast %jit3A_64 : f32 to vector<256x1024xf32>
    %select_n3A_66 = arith.select %eq3A_61, %broadcast_in_dim3A_65, %select_n3A_45 : vector<256x1024xi1>, vector<256x1024xf32>
    %reduce_max3A_67 = arith.constant dense<0xFF800000> : vector<256xf32>
    %reduce_max3A_68 = vector.multi_reduction <maximumf>, %select_n3A_62, %reduce_max3A_67 [1] : vector<256x1024xf32> to vector<256xf32>
    %broadcast_in_dim3A_69 = vector.shape_cast %reduce_max3A_68 : vector<256xf32> to vector<256x1xf32>
    %eq3A_70 = vector.broadcast %broadcast_in_dim3A_69 : vector<256x1xf32> to vector<256x1024xf32>
    %eq3A_71 = arith.cmpf oeq, %select_n3A_62, %eq3A_70 : vector<256x1024xf32>
    %jit3A_72 = arith.constant 2048 : i32
    %broadcast_in_dim3A_73 = vector.broadcast %jit3A_72 : i32 to vector<256x1024xi32>
    %select_n3A_74 = arith.select %eq3A_71, %select_n3A_63, %broadcast_in_dim3A_73 : vector<256x1024xi1>, vector<256x1024xi32>
    %reduce_min3A_75 = arith.constant dense<2147483647> : vector<256xi32>
    %reduce_min3A_76 = vector.multi_reduction <minsi>, %select_n3A_74, %reduce_min3A_75 [1] : vector<256x1024xi32> to vector<256xi32>
    %broadcast_in_dim3A_77 = vector.shape_cast %reduce_min3A_76 : vector<256xi32> to vector<256x1xi32>
    %and3A_78 = arith.constant 1023 : i32
    %and3A_79 = vector.broadcast %and3A_78 : i32 to vector<256x1xi32>
    %and3A_80 = arith.andi %broadcast_in_dim3A_77, %and3A_79 : vector<256x1xi32>
    %eq3A_81 = vector.broadcast %and3A_80 : vector<256x1xi32> to vector<256x1024xi32>
    %eq3A_82 = arith.cmpi eq, %iota3A, %eq3A_81 : vector<256x1024xi32>
    %select_n3A_83 = arith.select %eq3A_82, %select_n3A_66, %select_n3A_62 : vector<256x1024xi1>, vector<256x1024xf32>
    %select_n3A_84 = arith.select %eq3A_82, %select_n3A_29, %select_n3A_63 : vector<256x1024xi1>, vector<256x1024xi32>
    %jit3A_85 = arith.constant -3.000000e+38 : f32
    %broadcast_in_dim3A_86 = vector.broadcast %jit3A_85 : f32 to vector<256x1024xf32>
    %select_n3A_87 = arith.select %eq3A_82, %broadcast_in_dim3A_86, %select_n3A_66 : vector<256x1024xi1>, vector<256x1024xf32>
    %reduce_max3A_88 = arith.constant dense<0xFF800000> : vector<256xf32>
    %reduce_max3A_89 = vector.multi_reduction <maximumf>, %select_n3A_83, %reduce_max3A_88 [1] : vector<256x1024xf32> to vector<256xf32>
    %broadcast_in_dim3A_90 = vector.shape_cast %reduce_max3A_89 : vector<256xf32> to vector<256x1xf32>
    %eq3A_91 = vector.broadcast %broadcast_in_dim3A_90 : vector<256x1xf32> to vector<256x1024xf32>
    %eq3A_92 = arith.cmpf oeq, %select_n3A_83, %eq3A_91 : vector<256x1024xf32>
    %jit3A_93 = arith.constant 2048 : i32
    %broadcast_in_dim3A_94 = vector.broadcast %jit3A_93 : i32 to vector<256x1024xi32>
    %select_n3A_95 = arith.select %eq3A_92, %select_n3A_84, %broadcast_in_dim3A_94 : vector<256x1024xi1>, vector<256x1024xi32>
    %reduce_min3A_96 = arith.constant dense<2147483647> : vector<256xi32>
    %reduce_min3A_97 = vector.multi_reduction <minsi>, %select_n3A_95, %reduce_min3A_96 [1] : vector<256x1024xi32> to vector<256xi32>
    %broadcast_in_dim3A_98 = vector.shape_cast %reduce_min3A_97 : vector<256xi32> to vector<256x1xi32>
    %and3A_99 = arith.constant 1023 : i32
    %and3A_100 = vector.broadcast %and3A_99 : i32 to vector<256x1xi32>
    %and3A_101 = arith.andi %broadcast_in_dim3A_98, %and3A_100 : vector<256x1xi32>
    %eq3A_102 = vector.broadcast %and3A_101 : vector<256x1xi32> to vector<256x1024xi32>
    %eq3A_103 = arith.cmpi eq, %iota3A, %eq3A_102 : vector<256x1024xi32>
    %select_n3A_104 = arith.select %eq3A_103, %select_n3A_87, %select_n3A_83 : vector<256x1024xi1>, vector<256x1024xf32>
    %select_n3A_105 = arith.select %eq3A_103, %select_n3A_29, %select_n3A_84 : vector<256x1024xi1>, vector<256x1024xi32>
    %jit3A_106 = arith.constant -3.000000e+38 : f32
    %broadcast_in_dim3A_107 = vector.broadcast %jit3A_106 : f32 to vector<256x1024xf32>
    %select_n3A_108 = arith.select %eq3A_103, %broadcast_in_dim3A_107, %select_n3A_87 : vector<256x1024xi1>, vector<256x1024xf32>
    %reduce_max3A_109 = arith.constant dense<0xFF800000> : vector<256xf32>
    %reduce_max3A_110 = vector.multi_reduction <maximumf>, %select_n3A_104, %reduce_max3A_109 [1] : vector<256x1024xf32> to vector<256xf32>
    %broadcast_in_dim3A_111 = vector.shape_cast %reduce_max3A_110 : vector<256xf32> to vector<256x1xf32>
    %eq3A_112 = vector.broadcast %broadcast_in_dim3A_111 : vector<256x1xf32> to vector<256x1024xf32>
    %eq3A_113 = arith.cmpf oeq, %select_n3A_104, %eq3A_112 : vector<256x1024xf32>
    %jit3A_114 = arith.constant 2048 : i32
    %broadcast_in_dim3A_115 = vector.broadcast %jit3A_114 : i32 to vector<256x1024xi32>
    %select_n3A_116 = arith.select %eq3A_113, %select_n3A_105, %broadcast_in_dim3A_115 : vector<256x1024xi1>, vector<256x1024xi32>
    %reduce_min3A_117 = arith.constant dense<2147483647> : vector<256xi32>
    %reduce_min3A_118 = vector.multi_reduction <minsi>, %select_n3A_116, %reduce_min3A_117 [1] : vector<256x1024xi32> to vector<256xi32>
    %broadcast_in_dim3A_119 = vector.shape_cast %reduce_min3A_118 : vector<256xi32> to vector<256x1xi32>
    %and3A_120 = arith.constant 1023 : i32
    %and3A_121 = vector.broadcast %and3A_120 : i32 to vector<256x1xi32>
    %and3A_122 = arith.andi %broadcast_in_dim3A_119, %and3A_121 : vector<256x1xi32>
    %eq3A_123 = vector.broadcast %and3A_122 : vector<256x1xi32> to vector<256x1024xi32>
    %eq3A_124 = arith.cmpi eq, %iota3A, %eq3A_123 : vector<256x1024xi32>
    %select_n3A_125 = arith.select %eq3A_124, %select_n3A_108, %select_n3A_104 : vector<256x1024xi1>, vector<256x1024xf32>
    %select_n3A_126 = arith.select %eq3A_124, %select_n3A_29, %select_n3A_105 : vector<256x1024xi1>, vector<256x1024xi32>
    %jit3A_127 = arith.constant -3.000000e+38 : f32
    %broadcast_in_dim3A_128 = vector.broadcast %jit3A_127 : f32 to vector<256x1024xf32>
    %select_n3A_129 = arith.select %eq3A_124, %broadcast_in_dim3A_128, %select_n3A_108 : vector<256x1024xi1>, vector<256x1024xf32>
    %reduce_max3A_130 = arith.constant dense<0xFF800000> : vector<256xf32>
    %reduce_max3A_131 = vector.multi_reduction <maximumf>, %select_n3A_125, %reduce_max3A_130 [1] : vector<256x1024xf32> to vector<256xf32>
    %broadcast_in_dim3A_132 = vector.shape_cast %reduce_max3A_131 : vector<256xf32> to vector<256x1xf32>
    %eq3A_133 = vector.broadcast %broadcast_in_dim3A_132 : vector<256x1xf32> to vector<256x1024xf32>
    %eq3A_134 = arith.cmpf oeq, %select_n3A_125, %eq3A_133 : vector<256x1024xf32>
    %jit3A_135 = arith.constant 2048 : i32
    %broadcast_in_dim3A_136 = vector.broadcast %jit3A_135 : i32 to vector<256x1024xi32>
    %select_n3A_137 = arith.select %eq3A_134, %select_n3A_126, %broadcast_in_dim3A_136 : vector<256x1024xi1>, vector<256x1024xi32>
    %reduce_min3A_138 = arith.constant dense<2147483647> : vector<256xi32>
    %reduce_min3A_139 = vector.multi_reduction <minsi>, %select_n3A_137, %reduce_min3A_138 [1] : vector<256x1024xi32> to vector<256xi32>
    %broadcast_in_dim3A_140 = vector.shape_cast %reduce_min3A_139 : vector<256xi32> to vector<256x1xi32>
    %and3A_141 = arith.constant 1023 : i32
    %and3A_142 = vector.broadcast %and3A_141 : i32 to vector<256x1xi32>
    %and3A_143 = arith.andi %broadcast_in_dim3A_140, %and3A_142 : vector<256x1xi32>
    %eq3A_144 = vector.broadcast %and3A_143 : vector<256x1xi32> to vector<256x1024xi32>
    %eq3A_145 = arith.cmpi eq, %iota3A, %eq3A_144 : vector<256x1024xi32>
    %select_n3A_146 = arith.select %eq3A_145, %select_n3A_129, %select_n3A_125 : vector<256x1024xi1>, vector<256x1024xf32>
    %select_n3A_147 = arith.select %eq3A_145, %select_n3A_29, %select_n3A_126 : vector<256x1024xi1>, vector<256x1024xi32>
    %jit3A_148 = arith.constant -3.000000e+38 : f32
    %broadcast_in_dim3A_149 = vector.broadcast %jit3A_148 : f32 to vector<256x1024xf32>
    %select_n3A_150 = arith.select %eq3A_145, %broadcast_in_dim3A_149, %select_n3A_129 : vector<256x1024xi1>, vector<256x1024xf32>
    %reduce_max3A_151 = arith.constant dense<0xFF800000> : vector<256xf32>
    %reduce_max3A_152 = vector.multi_reduction <maximumf>, %select_n3A_146, %reduce_max3A_151 [1] : vector<256x1024xf32> to vector<256xf32>
    %broadcast_in_dim3A_153 = vector.shape_cast %reduce_max3A_152 : vector<256xf32> to vector<256x1xf32>
    %eq3A_154 = vector.broadcast %broadcast_in_dim3A_153 : vector<256x1xf32> to vector<256x1024xf32>
    %eq3A_155 = arith.cmpf oeq, %select_n3A_146, %eq3A_154 : vector<256x1024xf32>
    %jit3A_156 = arith.constant 2048 : i32
    %broadcast_in_dim3A_157 = vector.broadcast %jit3A_156 : i32 to vector<256x1024xi32>
    %select_n3A_158 = arith.select %eq3A_155, %select_n3A_147, %broadcast_in_dim3A_157 : vector<256x1024xi1>, vector<256x1024xi32>
    %reduce_min3A_159 = arith.constant dense<2147483647> : vector<256xi32>
    %reduce_min3A_160 = vector.multi_reduction <minsi>, %select_n3A_158, %reduce_min3A_159 [1] : vector<256x1024xi32> to vector<256xi32>
    %broadcast_in_dim3A_161 = vector.shape_cast %reduce_min3A_160 : vector<256xi32> to vector<256x1xi32>
    %and3A_162 = arith.constant 1023 : i32
    %and3A_163 = vector.broadcast %and3A_162 : i32 to vector<256x1xi32>
    %and3A_164 = arith.andi %broadcast_in_dim3A_161, %and3A_163 : vector<256x1xi32>
    %eq3A_165 = vector.broadcast %and3A_164 : vector<256x1xi32> to vector<256x1024xi32>
    %eq3A_166 = arith.cmpi eq, %iota3A, %eq3A_165 : vector<256x1024xi32>
    %select_n3A_167 = arith.select %eq3A_166, %select_n3A_150, %select_n3A_146 : vector<256x1024xi1>, vector<256x1024xf32>
    %select_n3A_168 = arith.select %eq3A_166, %select_n3A_29, %select_n3A_147 : vector<256x1024xi1>, vector<256x1024xi32>
    %jit3A_169 = arith.constant -3.000000e+38 : f32
    %broadcast_in_dim3A_170 = vector.broadcast %jit3A_169 : f32 to vector<256x1024xf32>
    %select_n3A_171 = arith.select %eq3A_166, %broadcast_in_dim3A_170, %select_n3A_150 : vector<256x1024xi1>, vector<256x1024xf32>
    %reduce_max3A_172 = arith.constant dense<0xFF800000> : vector<256xf32>
    %reduce_max3A_173 = vector.multi_reduction <maximumf>, %select_n3A_167, %reduce_max3A_172 [1] : vector<256x1024xf32> to vector<256xf32>
    %broadcast_in_dim3A_174 = vector.shape_cast %reduce_max3A_173 : vector<256xf32> to vector<256x1xf32>
    %eq3A_175 = vector.broadcast %broadcast_in_dim3A_174 : vector<256x1xf32> to vector<256x1024xf32>
    %eq3A_176 = arith.cmpf oeq, %select_n3A_167, %eq3A_175 : vector<256x1024xf32>
    %jit3A_177 = arith.constant 2048 : i32
    %broadcast_in_dim3A_178 = vector.broadcast %jit3A_177 : i32 to vector<256x1024xi32>
    %select_n3A_179 = arith.select %eq3A_176, %select_n3A_168, %broadcast_in_dim3A_178 : vector<256x1024xi1>, vector<256x1024xi32>
    %reduce_min3A_180 = arith.constant dense<2147483647> : vector<256xi32>
    %reduce_min3A_181 = vector.multi_reduction <minsi>, %select_n3A_179, %reduce_min3A_180 [1] : vector<256x1024xi32> to vector<256xi32>
    %broadcast_in_dim3A_182 = vector.shape_cast %reduce_min3A_181 : vector<256xi32> to vector<256x1xi32>
    %and3A_183 = arith.constant 1023 : i32
    %and3A_184 = vector.broadcast %and3A_183 : i32 to vector<256x1xi32>
    %and3A_185 = arith.andi %broadcast_in_dim3A_182, %and3A_184 : vector<256x1xi32>
    %eq3A_186 = vector.broadcast %and3A_185 : vector<256x1xi32> to vector<256x1024xi32>
    %eq3A_187 = arith.cmpi eq, %iota3A, %eq3A_186 : vector<256x1024xi32>
    %select_n3A_188 = arith.select %eq3A_187, %select_n3A_171, %select_n3A_167 : vector<256x1024xi1>, vector<256x1024xf32>
    %select_n3A_189 = arith.select %eq3A_187, %select_n3A_29, %select_n3A_168 : vector<256x1024xi1>, vector<256x1024xi32>
    %jit3A_190 = arith.constant -3.000000e+38 : f32
    %broadcast_in_dim3A_191 = vector.broadcast %jit3A_190 : f32 to vector<256x1024xf32>
    %select_n3A_192 = arith.select %eq3A_187, %broadcast_in_dim3A_191, %select_n3A_171 : vector<256x1024xi1>, vector<256x1024xf32>
    %reduce_max3A_193 = arith.constant dense<0xFF800000> : vector<256xf32>
    %reduce_max3A_194 = vector.multi_reduction <maximumf>, %select_n3A_188, %reduce_max3A_193 [1] : vector<256x1024xf32> to vector<256xf32>
    %broadcast_in_dim3A_195 = vector.shape_cast %reduce_max3A_194 : vector<256xf32> to vector<256x1xf32>
    %eq3A_196 = vector.broadcast %broadcast_in_dim3A_195 : vector<256x1xf32> to vector<256x1024xf32>
    %eq3A_197 = arith.cmpf oeq, %select_n3A_188, %eq3A_196 : vector<256x1024xf32>
    %jit3A_198 = arith.constant 2048 : i32
    %broadcast_in_dim3A_199 = vector.broadcast %jit3A_198 : i32 to vector<256x1024xi32>
    %select_n3A_200 = arith.select %eq3A_197, %select_n3A_189, %broadcast_in_dim3A_199 : vector<256x1024xi1>, vector<256x1024xi32>
    %reduce_min3A_201 = arith.constant dense<2147483647> : vector<256xi32>
    %reduce_min3A_202 = vector.multi_reduction <minsi>, %select_n3A_200, %reduce_min3A_201 [1] : vector<256x1024xi32> to vector<256xi32>
    %broadcast_in_dim3A_203 = vector.shape_cast %reduce_min3A_202 : vector<256xi32> to vector<256x1xi32>
    %and3A_204 = arith.constant 1023 : i32
    %and3A_205 = vector.broadcast %and3A_204 : i32 to vector<256x1xi32>
    %and3A_206 = arith.andi %broadcast_in_dim3A_203, %and3A_205 : vector<256x1xi32>
    %eq3A_207 = vector.broadcast %and3A_206 : vector<256x1xi32> to vector<256x1024xi32>
    %eq3A_208 = arith.cmpi eq, %iota3A, %eq3A_207 : vector<256x1024xi32>
    %select_n3A_209 = arith.select %eq3A_208, %select_n3A_192, %select_n3A_188 : vector<256x1024xi1>, vector<256x1024xf32>
    %select_n3A_210 = arith.select %eq3A_208, %select_n3A_29, %select_n3A_189 : vector<256x1024xi1>, vector<256x1024xi32>
    %jit3A_211 = arith.constant -3.000000e+38 : f32
    %broadcast_in_dim3A_212 = vector.broadcast %jit3A_211 : f32 to vector<256x1024xf32>
    %select_n3A_213 = arith.select %eq3A_208, %broadcast_in_dim3A_212, %select_n3A_192 : vector<256x1024xi1>, vector<256x1024xf32>
    %reduce_max3A_214 = arith.constant dense<0xFF800000> : vector<256xf32>
    %reduce_max3A_215 = vector.multi_reduction <maximumf>, %select_n3A_209, %reduce_max3A_214 [1] : vector<256x1024xf32> to vector<256xf32>
    %broadcast_in_dim3A_216 = vector.shape_cast %reduce_max3A_215 : vector<256xf32> to vector<256x1xf32>
    %eq3A_217 = vector.broadcast %broadcast_in_dim3A_216 : vector<256x1xf32> to vector<256x1024xf32>
    %eq3A_218 = arith.cmpf oeq, %select_n3A_209, %eq3A_217 : vector<256x1024xf32>
    %jit3A_219 = arith.constant 2048 : i32
    %broadcast_in_dim3A_220 = vector.broadcast %jit3A_219 : i32 to vector<256x1024xi32>
    %select_n3A_221 = arith.select %eq3A_218, %select_n3A_210, %broadcast_in_dim3A_220 : vector<256x1024xi1>, vector<256x1024xi32>
    %reduce_min3A_222 = arith.constant dense<2147483647> : vector<256xi32>
    %reduce_min3A_223 = vector.multi_reduction <minsi>, %select_n3A_221, %reduce_min3A_222 [1] : vector<256x1024xi32> to vector<256xi32>
    %broadcast_in_dim3A_224 = vector.shape_cast %reduce_min3A_223 : vector<256xi32> to vector<256x1xi32>
    %and3A_225 = arith.constant 1023 : i32
    %and3A_226 = vector.broadcast %and3A_225 : i32 to vector<256x1xi32>
    %and3A_227 = arith.andi %broadcast_in_dim3A_224, %and3A_226 : vector<256x1xi32>
    %eq3A_228 = vector.broadcast %and3A_227 : vector<256x1xi32> to vector<256x1024xi32>
    %eq3A_229 = arith.cmpi eq, %iota3A, %eq3A_228 : vector<256x1024xi32>
    %select_n3A_230 = arith.select %eq3A_229, %select_n3A_213, %select_n3A_209 : vector<256x1024xi1>, vector<256x1024xf32>
    %select_n3A_231 = arith.select %eq3A_229, %select_n3A_29, %select_n3A_210 : vector<256x1024xi1>, vector<256x1024xi32>
    %jit3A_232 = arith.constant -3.000000e+38 : f32
    %broadcast_in_dim3A_233 = vector.broadcast %jit3A_232 : f32 to vector<256x1024xf32>
    %select_n3A_234 = arith.select %eq3A_229, %broadcast_in_dim3A_233, %select_n3A_213 : vector<256x1024xi1>, vector<256x1024xf32>
    %reduce_max3A_235 = arith.constant dense<0xFF800000> : vector<256xf32>
    %reduce_max3A_236 = vector.multi_reduction <maximumf>, %select_n3A_230, %reduce_max3A_235 [1] : vector<256x1024xf32> to vector<256xf32>
    %broadcast_in_dim3A_237 = vector.shape_cast %reduce_max3A_236 : vector<256xf32> to vector<256x1xf32>
    %eq3A_238 = vector.broadcast %broadcast_in_dim3A_237 : vector<256x1xf32> to vector<256x1024xf32>
    %eq3A_239 = arith.cmpf oeq, %select_n3A_230, %eq3A_238 : vector<256x1024xf32>
    %jit3A_240 = arith.constant 2048 : i32
    %broadcast_in_dim3A_241 = vector.broadcast %jit3A_240 : i32 to vector<256x1024xi32>
    %select_n3A_242 = arith.select %eq3A_239, %select_n3A_231, %broadcast_in_dim3A_241 : vector<256x1024xi1>, vector<256x1024xi32>
    %reduce_min3A_243 = arith.constant dense<2147483647> : vector<256xi32>
    %reduce_min3A_244 = vector.multi_reduction <minsi>, %select_n3A_242, %reduce_min3A_243 [1] : vector<256x1024xi32> to vector<256xi32>
    %broadcast_in_dim3A_245 = vector.shape_cast %reduce_min3A_244 : vector<256xi32> to vector<256x1xi32>
    %and3A_246 = arith.constant 1023 : i32
    %and3A_247 = vector.broadcast %and3A_246 : i32 to vector<256x1xi32>
    %and3A_248 = arith.andi %broadcast_in_dim3A_245, %and3A_247 : vector<256x1xi32>
    %eq3A_249 = vector.broadcast %and3A_248 : vector<256x1xi32> to vector<256x1024xi32>
    %eq3A_250 = arith.cmpi eq, %iota3A, %eq3A_249 : vector<256x1024xi32>
    %select_n3A_251 = arith.select %eq3A_250, %select_n3A_234, %select_n3A_230 : vector<256x1024xi1>, vector<256x1024xf32>
    %select_n3A_252 = arith.select %eq3A_250, %select_n3A_29, %select_n3A_231 : vector<256x1024xi1>, vector<256x1024xi32>
    %jit3A_253 = arith.constant -3.000000e+38 : f32
    %broadcast_in_dim3A_254 = vector.broadcast %jit3A_253 : f32 to vector<256x1024xf32>
    %select_n3A_255 = arith.select %eq3A_250, %broadcast_in_dim3A_254, %select_n3A_234 : vector<256x1024xi1>, vector<256x1024xf32>
    %reduce_max3A_256 = arith.constant dense<0xFF800000> : vector<256xf32>
    %reduce_max3A_257 = vector.multi_reduction <maximumf>, %select_n3A_251, %reduce_max3A_256 [1] : vector<256x1024xf32> to vector<256xf32>
    %broadcast_in_dim3A_258 = vector.shape_cast %reduce_max3A_257 : vector<256xf32> to vector<256x1xf32>
    %eq3A_259 = vector.broadcast %broadcast_in_dim3A_258 : vector<256x1xf32> to vector<256x1024xf32>
    %eq3A_260 = arith.cmpf oeq, %select_n3A_251, %eq3A_259 : vector<256x1024xf32>
    %jit3A_261 = arith.constant 2048 : i32
    %broadcast_in_dim3A_262 = vector.broadcast %jit3A_261 : i32 to vector<256x1024xi32>
    %select_n3A_263 = arith.select %eq3A_260, %select_n3A_252, %broadcast_in_dim3A_262 : vector<256x1024xi1>, vector<256x1024xi32>
    %reduce_min3A_264 = arith.constant dense<2147483647> : vector<256xi32>
    %reduce_min3A_265 = vector.multi_reduction <minsi>, %select_n3A_263, %reduce_min3A_264 [1] : vector<256x1024xi32> to vector<256xi32>
    %broadcast_in_dim3A_266 = vector.shape_cast %reduce_min3A_265 : vector<256xi32> to vector<256x1xi32>
    %and3A_267 = arith.constant 1023 : i32
    %and3A_268 = vector.broadcast %and3A_267 : i32 to vector<256x1xi32>
    %and3A_269 = arith.andi %broadcast_in_dim3A_266, %and3A_268 : vector<256x1xi32>
    %eq3A_270 = vector.broadcast %and3A_269 : vector<256x1xi32> to vector<256x1024xi32>
    %eq3A_271 = arith.cmpi eq, %iota3A, %eq3A_270 : vector<256x1024xi32>
    %select_n3A_272 = arith.select %eq3A_271, %select_n3A_255, %select_n3A_251 : vector<256x1024xi1>, vector<256x1024xf32>
    %select_n3A_273 = arith.select %eq3A_271, %select_n3A_29, %select_n3A_252 : vector<256x1024xi1>, vector<256x1024xi32>
    %jit3A_274 = arith.constant -3.000000e+38 : f32
    %broadcast_in_dim3A_275 = vector.broadcast %jit3A_274 : f32 to vector<256x1024xf32>
    %select_n3A_276 = arith.select %eq3A_271, %broadcast_in_dim3A_275, %select_n3A_255 : vector<256x1024xi1>, vector<256x1024xf32>
    %reduce_max3A_277 = arith.constant dense<0xFF800000> : vector<256xf32>
    %reduce_max3A_278 = vector.multi_reduction <maximumf>, %select_n3A_272, %reduce_max3A_277 [1] : vector<256x1024xf32> to vector<256xf32>
    %broadcast_in_dim3A_279 = vector.shape_cast %reduce_max3A_278 : vector<256xf32> to vector<256x1xf32>
    %eq3A_280 = vector.broadcast %broadcast_in_dim3A_279 : vector<256x1xf32> to vector<256x1024xf32>
    %eq3A_281 = arith.cmpf oeq, %select_n3A_272, %eq3A_280 : vector<256x1024xf32>
    %jit3A_282 = arith.constant 2048 : i32
    %broadcast_in_dim3A_283 = vector.broadcast %jit3A_282 : i32 to vector<256x1024xi32>
    %select_n3A_284 = arith.select %eq3A_281, %select_n3A_273, %broadcast_in_dim3A_283 : vector<256x1024xi1>, vector<256x1024xi32>
    %reduce_min3A_285 = arith.constant dense<2147483647> : vector<256xi32>
    %reduce_min3A_286 = vector.multi_reduction <minsi>, %select_n3A_284, %reduce_min3A_285 [1] : vector<256x1024xi32> to vector<256xi32>
    %broadcast_in_dim3A_287 = vector.shape_cast %reduce_min3A_286 : vector<256xi32> to vector<256x1xi32>
    %and3A_288 = arith.constant 1023 : i32
    %and3A_289 = vector.broadcast %and3A_288 : i32 to vector<256x1xi32>
    %and3A_290 = arith.andi %broadcast_in_dim3A_287, %and3A_289 : vector<256x1xi32>
    %eq3A_291 = vector.broadcast %and3A_290 : vector<256x1xi32> to vector<256x1024xi32>
    %eq3A_292 = arith.cmpi eq, %iota3A, %eq3A_291 : vector<256x1024xi32>
    %select_n3A_293 = arith.select %eq3A_292, %select_n3A_276, %select_n3A_272 : vector<256x1024xi1>, vector<256x1024xf32>
    %select_n3A_294 = arith.select %eq3A_292, %select_n3A_29, %select_n3A_273 : vector<256x1024xi1>, vector<256x1024xi32>
    %jit3A_295 = arith.constant -3.000000e+38 : f32
    %broadcast_in_dim3A_296 = vector.broadcast %jit3A_295 : f32 to vector<256x1024xf32>
    %select_n3A_297 = arith.select %eq3A_292, %broadcast_in_dim3A_296, %select_n3A_276 : vector<256x1024xi1>, vector<256x1024xf32>
    %reduce_max3A_298 = arith.constant dense<0xFF800000> : vector<256xf32>
    %reduce_max3A_299 = vector.multi_reduction <maximumf>, %select_n3A_293, %reduce_max3A_298 [1] : vector<256x1024xf32> to vector<256xf32>
    %broadcast_in_dim3A_300 = vector.shape_cast %reduce_max3A_299 : vector<256xf32> to vector<256x1xf32>
    %eq3A_301 = vector.broadcast %broadcast_in_dim3A_300 : vector<256x1xf32> to vector<256x1024xf32>
    %eq3A_302 = arith.cmpf oeq, %select_n3A_293, %eq3A_301 : vector<256x1024xf32>
    %jit3A_303 = arith.constant 2048 : i32
    %broadcast_in_dim3A_304 = vector.broadcast %jit3A_303 : i32 to vector<256x1024xi32>
    %select_n3A_305 = arith.select %eq3A_302, %select_n3A_294, %broadcast_in_dim3A_304 : vector<256x1024xi1>, vector<256x1024xi32>
    %reduce_min3A_306 = arith.constant dense<2147483647> : vector<256xi32>
    %reduce_min3A_307 = vector.multi_reduction <minsi>, %select_n3A_305, %reduce_min3A_306 [1] : vector<256x1024xi32> to vector<256xi32>
    %broadcast_in_dim3A_308 = vector.shape_cast %reduce_min3A_307 : vector<256xi32> to vector<256x1xi32>
    %and3A_309 = arith.constant 1023 : i32
    %and3A_310 = vector.broadcast %and3A_309 : i32 to vector<256x1xi32>
    %and3A_311 = arith.andi %broadcast_in_dim3A_308, %and3A_310 : vector<256x1xi32>
    %eq3A_312 = vector.broadcast %and3A_311 : vector<256x1xi32> to vector<256x1024xi32>
    %eq3A_313 = arith.cmpi eq, %iota3A, %eq3A_312 : vector<256x1024xi32>
    %select_n3A_314 = arith.select %eq3A_313, %select_n3A_297, %select_n3A_293 : vector<256x1024xi1>, vector<256x1024xf32>
    %select_n3A_315 = arith.select %eq3A_313, %select_n3A_29, %select_n3A_294 : vector<256x1024xi1>, vector<256x1024xi32>
    %jit3A_316 = arith.constant -3.000000e+38 : f32
    %broadcast_in_dim3A_317 = vector.broadcast %jit3A_316 : f32 to vector<256x1024xf32>
    %select_n3A_318 = arith.select %eq3A_313, %broadcast_in_dim3A_317, %select_n3A_297 : vector<256x1024xi1>, vector<256x1024xf32>
    %reduce_max3A_319 = arith.constant dense<0xFF800000> : vector<256xf32>
    %reduce_max3A_320 = vector.multi_reduction <maximumf>, %select_n3A_314, %reduce_max3A_319 [1] : vector<256x1024xf32> to vector<256xf32>
    %broadcast_in_dim3A_321 = vector.shape_cast %reduce_max3A_320 : vector<256xf32> to vector<256x1xf32>
    %eq3A_322 = vector.broadcast %broadcast_in_dim3A_321 : vector<256x1xf32> to vector<256x1024xf32>
    %eq3A_323 = arith.cmpf oeq, %select_n3A_314, %eq3A_322 : vector<256x1024xf32>
    %jit3A_324 = arith.constant 2048 : i32
    %broadcast_in_dim3A_325 = vector.broadcast %jit3A_324 : i32 to vector<256x1024xi32>
    %select_n3A_326 = arith.select %eq3A_323, %select_n3A_315, %broadcast_in_dim3A_325 : vector<256x1024xi1>, vector<256x1024xi32>
    %reduce_min3A_327 = arith.constant dense<2147483647> : vector<256xi32>
    %reduce_min3A_328 = vector.multi_reduction <minsi>, %select_n3A_326, %reduce_min3A_327 [1] : vector<256x1024xi32> to vector<256xi32>
    %broadcast_in_dim3A_329 = vector.shape_cast %reduce_min3A_328 : vector<256xi32> to vector<256x1xi32>
    %and3A_330 = arith.constant 1023 : i32
    %and3A_331 = vector.broadcast %and3A_330 : i32 to vector<256x1xi32>
    %and3A_332 = arith.andi %broadcast_in_dim3A_329, %and3A_331 : vector<256x1xi32>
    %eq3A_333 = vector.broadcast %and3A_332 : vector<256x1xi32> to vector<256x1024xi32>
    %eq3A_334 = arith.cmpi eq, %iota3A, %eq3A_333 : vector<256x1024xi32>
    %select_n3A_335 = arith.select %eq3A_334, %select_n3A_318, %select_n3A_314 : vector<256x1024xi1>, vector<256x1024xf32>
    %select_n3A_336 = arith.select %eq3A_334, %select_n3A_29, %select_n3A_315 : vector<256x1024xi1>, vector<256x1024xi32>
    %jit3A_337 = arith.constant -3.000000e+38 : f32
    %broadcast_in_dim3A_338 = vector.broadcast %jit3A_337 : f32 to vector<256x1024xf32>
    %select_n3A_339 = arith.select %eq3A_334, %broadcast_in_dim3A_338, %select_n3A_318 : vector<256x1024xi1>, vector<256x1024xf32>
    %reduce_max3A_340 = arith.constant dense<0xFF800000> : vector<256xf32>
    %reduce_max3A_341 = vector.multi_reduction <maximumf>, %select_n3A_335, %reduce_max3A_340 [1] : vector<256x1024xf32> to vector<256xf32>
    %broadcast_in_dim3A_342 = vector.shape_cast %reduce_max3A_341 : vector<256xf32> to vector<256x1xf32>
    %eq3A_343 = vector.broadcast %broadcast_in_dim3A_342 : vector<256x1xf32> to vector<256x1024xf32>
    %eq3A_344 = arith.cmpf oeq, %select_n3A_335, %eq3A_343 : vector<256x1024xf32>
    %jit3A_345 = arith.constant 2048 : i32
    %broadcast_in_dim3A_346 = vector.broadcast %jit3A_345 : i32 to vector<256x1024xi32>
    %select_n3A_347 = arith.select %eq3A_344, %select_n3A_336, %broadcast_in_dim3A_346 : vector<256x1024xi1>, vector<256x1024xi32>
    %reduce_min3A_348 = arith.constant dense<2147483647> : vector<256xi32>
    %reduce_min3A_349 = vector.multi_reduction <minsi>, %select_n3A_347, %reduce_min3A_348 [1] : vector<256x1024xi32> to vector<256xi32>
    %broadcast_in_dim3A_350 = vector.shape_cast %reduce_min3A_349 : vector<256xi32> to vector<256x1xi32>
    %and3A_351 = arith.constant 1023 : i32
    %and3A_352 = vector.broadcast %and3A_351 : i32 to vector<256x1xi32>
    %and3A_353 = arith.andi %broadcast_in_dim3A_350, %and3A_352 : vector<256x1xi32>
    %eq3A_354 = vector.broadcast %and3A_353 : vector<256x1xi32> to vector<256x1024xi32>
    %eq3A_355 = arith.cmpi eq, %iota3A, %eq3A_354 : vector<256x1024xi32>
    %select_n3A_356 = arith.select %eq3A_355, %select_n3A_339, %select_n3A_335 : vector<256x1024xi1>, vector<256x1024xf32>
    %select_n3A_357 = arith.select %eq3A_355, %select_n3A_29, %select_n3A_336 : vector<256x1024xi1>, vector<256x1024xi32>
    %jit3A_358 = arith.constant -3.000000e+38 : f32
    %broadcast_in_dim3A_359 = vector.broadcast %jit3A_358 : f32 to vector<256x1024xf32>
    %select_n3A_360 = arith.select %eq3A_355, %broadcast_in_dim3A_359, %select_n3A_339 : vector<256x1024xi1>, vector<256x1024xf32>
    %reduce_max3A_361 = arith.constant dense<0xFF800000> : vector<256xf32>
    %reduce_max3A_362 = vector.multi_reduction <maximumf>, %select_n3A_356, %reduce_max3A_361 [1] : vector<256x1024xf32> to vector<256xf32>
    %broadcast_in_dim3A_363 = vector.shape_cast %reduce_max3A_362 : vector<256xf32> to vector<256x1xf32>
    %eq3A_364 = vector.broadcast %broadcast_in_dim3A_363 : vector<256x1xf32> to vector<256x1024xf32>
    %eq3A_365 = arith.cmpf oeq, %select_n3A_356, %eq3A_364 : vector<256x1024xf32>
    %jit3A_366 = arith.constant 2048 : i32
    %broadcast_in_dim3A_367 = vector.broadcast %jit3A_366 : i32 to vector<256x1024xi32>
    %select_n3A_368 = arith.select %eq3A_365, %select_n3A_357, %broadcast_in_dim3A_367 : vector<256x1024xi1>, vector<256x1024xi32>
    %reduce_min3A_369 = arith.constant dense<2147483647> : vector<256xi32>
    %reduce_min3A_370 = vector.multi_reduction <minsi>, %select_n3A_368, %reduce_min3A_369 [1] : vector<256x1024xi32> to vector<256xi32>
    %broadcast_in_dim3A_371 = vector.shape_cast %reduce_min3A_370 : vector<256xi32> to vector<256x1xi32>
    %and3A_372 = arith.constant 1023 : i32
    %and3A_373 = vector.broadcast %and3A_372 : i32 to vector<256x1xi32>
    %and3A_374 = arith.andi %broadcast_in_dim3A_371, %and3A_373 : vector<256x1xi32>
    %eq3A_375 = vector.broadcast %and3A_374 : vector<256x1xi32> to vector<256x1024xi32>
    %eq3A_376 = arith.cmpi eq, %iota3A, %eq3A_375 : vector<256x1024xi32>
    %select_n3A_377 = arith.select %eq3A_376, %select_n3A_360, %select_n3A_356 : vector<256x1024xi1>, vector<256x1024xf32>
    %select_n3A_378 = arith.select %eq3A_376, %select_n3A_29, %select_n3A_357 : vector<256x1024xi1>, vector<256x1024xi32>
    %jit3A_379 = arith.constant -3.000000e+38 : f32
    %broadcast_in_dim3A_380 = vector.broadcast %jit3A_379 : f32 to vector<256x1024xf32>
    %select_n3A_381 = arith.select %eq3A_376, %broadcast_in_dim3A_380, %select_n3A_360 : vector<256x1024xi1>, vector<256x1024xf32>
    %reduce_max3A_382 = arith.constant dense<0xFF800000> : vector<256xf32>
    %reduce_max3A_383 = vector.multi_reduction <maximumf>, %select_n3A_377, %reduce_max3A_382 [1] : vector<256x1024xf32> to vector<256xf32>
    %broadcast_in_dim3A_384 = vector.shape_cast %reduce_max3A_383 : vector<256xf32> to vector<256x1xf32>
    %eq3A_385 = vector.broadcast %broadcast_in_dim3A_384 : vector<256x1xf32> to vector<256x1024xf32>
    %eq3A_386 = arith.cmpf oeq, %select_n3A_377, %eq3A_385 : vector<256x1024xf32>
    %jit3A_387 = arith.constant 2048 : i32
    %broadcast_in_dim3A_388 = vector.broadcast %jit3A_387 : i32 to vector<256x1024xi32>
    %select_n3A_389 = arith.select %eq3A_386, %select_n3A_378, %broadcast_in_dim3A_388 : vector<256x1024xi1>, vector<256x1024xi32>
    %reduce_min3A_390 = arith.constant dense<2147483647> : vector<256xi32>
    %reduce_min3A_391 = vector.multi_reduction <minsi>, %select_n3A_389, %reduce_min3A_390 [1] : vector<256x1024xi32> to vector<256xi32>
    %broadcast_in_dim3A_392 = vector.shape_cast %reduce_min3A_391 : vector<256xi32> to vector<256x1xi32>
    %and3A_393 = arith.constant 1023 : i32
    %and3A_394 = vector.broadcast %and3A_393 : i32 to vector<256x1xi32>
    %and3A_395 = arith.andi %broadcast_in_dim3A_392, %and3A_394 : vector<256x1xi32>
    %eq3A_396 = vector.broadcast %and3A_395 : vector<256x1xi32> to vector<256x1024xi32>
    %eq3A_397 = arith.cmpi eq, %iota3A, %eq3A_396 : vector<256x1024xi32>
    %select_n3A_398 = arith.select %eq3A_397, %select_n3A_381, %select_n3A_377 : vector<256x1024xi1>, vector<256x1024xf32>
    %select_n3A_399 = arith.select %eq3A_397, %select_n3A_29, %select_n3A_378 : vector<256x1024xi1>, vector<256x1024xi32>
    %jit3A_400 = arith.constant -3.000000e+38 : f32
    %broadcast_in_dim3A_401 = vector.broadcast %jit3A_400 : f32 to vector<256x1024xf32>
    %select_n3A_402 = arith.select %eq3A_397, %broadcast_in_dim3A_401, %select_n3A_381 : vector<256x1024xi1>, vector<256x1024xf32>
    %reduce_max3A_403 = arith.constant dense<0xFF800000> : vector<256xf32>
    %reduce_max3A_404 = vector.multi_reduction <maximumf>, %select_n3A_398, %reduce_max3A_403 [1] : vector<256x1024xf32> to vector<256xf32>
    %broadcast_in_dim3A_405 = vector.shape_cast %reduce_max3A_404 : vector<256xf32> to vector<256x1xf32>
    %eq3A_406 = vector.broadcast %broadcast_in_dim3A_405 : vector<256x1xf32> to vector<256x1024xf32>
    %eq3A_407 = arith.cmpf oeq, %select_n3A_398, %eq3A_406 : vector<256x1024xf32>
    %jit3A_408 = arith.constant 2048 : i32
    %broadcast_in_dim3A_409 = vector.broadcast %jit3A_408 : i32 to vector<256x1024xi32>
    %select_n3A_410 = arith.select %eq3A_407, %select_n3A_399, %broadcast_in_dim3A_409 : vector<256x1024xi1>, vector<256x1024xi32>
    %reduce_min3A_411 = arith.constant dense<2147483647> : vector<256xi32>
    %reduce_min3A_412 = vector.multi_reduction <minsi>, %select_n3A_410, %reduce_min3A_411 [1] : vector<256x1024xi32> to vector<256xi32>
    %broadcast_in_dim3A_413 = vector.shape_cast %reduce_min3A_412 : vector<256xi32> to vector<256x1xi32>
    %and3A_414 = arith.constant 1023 : i32
    %and3A_415 = vector.broadcast %and3A_414 : i32 to vector<256x1xi32>
    %and3A_416 = arith.andi %broadcast_in_dim3A_413, %and3A_415 : vector<256x1xi32>
    %eq3A_417 = vector.broadcast %and3A_416 : vector<256x1xi32> to vector<256x1024xi32>
    %eq3A_418 = arith.cmpi eq, %iota3A, %eq3A_417 : vector<256x1024xi32>
    %select_n3A_419 = arith.select %eq3A_418, %select_n3A_402, %select_n3A_398 : vector<256x1024xi1>, vector<256x1024xf32>
    %select_n3A_420 = arith.select %eq3A_418, %select_n3A_29, %select_n3A_399 : vector<256x1024xi1>, vector<256x1024xi32>
    %reduce_max3A_421 = arith.constant dense<0xFF800000> : vector<256xf32>
    %reduce_max3A_422 = vector.multi_reduction <maximumf>, %select_n3A_419, %reduce_max3A_421 [1] : vector<256x1024xf32> to vector<256xf32>
    %broadcast_in_dim3A_423 = vector.shape_cast %reduce_max3A_422 : vector<256xf32> to vector<256x1xf32>
    %eq3A_424 = vector.broadcast %broadcast_in_dim3A_423 : vector<256x1xf32> to vector<256x1024xf32>
    %eq3A_425 = arith.cmpf oeq, %select_n3A_419, %eq3A_424 : vector<256x1024xf32>
    %jit3A_426 = arith.constant 2048 : i32
    %broadcast_in_dim3A_427 = vector.broadcast %jit3A_426 : i32 to vector<256x1024xi32>
    %select_n3A_428 = arith.select %eq3A_425, %select_n3A_420, %broadcast_in_dim3A_427 : vector<256x1024xi1>, vector<256x1024xi32>
    %reduce_min3A_429 = arith.constant dense<2147483647> : vector<256xi32>
    %reduce_min3A_430 = vector.multi_reduction <minsi>, %select_n3A_428, %reduce_min3A_429 [1] : vector<256x1024xi32> to vector<256xi32>
    %broadcast_in_dim3A_431 = vector.shape_cast %reduce_min3A_430 : vector<256xi32> to vector<256x1xi32>
    %concatenate3A = tpu.concatenate %broadcast_in_dim3A_36, %broadcast_in_dim3A_56, %broadcast_in_dim3A_77, %broadcast_in_dim3A_98, %broadcast_in_dim3A_119, %broadcast_in_dim3A_140, %broadcast_in_dim3A_161, %broadcast_in_dim3A_182, %broadcast_in_dim3A_203, %broadcast_in_dim3A_224, %broadcast_in_dim3A_245, %broadcast_in_dim3A_266, %broadcast_in_dim3A_287, %broadcast_in_dim3A_308, %broadcast_in_dim3A_329, %broadcast_in_dim3A_350, %broadcast_in_dim3A_371, %broadcast_in_dim3A_392, %broadcast_in_dim3A_413, %broadcast_in_dim3A_431 in 1 : vector<256x1xi32>, vector<256x1xi32>, vector<256x1xi32>, vector<256x1xi32>, vector<256x1xi32>, vector<256x1xi32>, vector<256x1xi32>, vector<256x1xi32>, vector<256x1xi32>, vector<256x1xi32>, vector<256x1xi32>, vector<256x1xi32>, vector<256x1xi32>, vector<256x1xi32>, vector<256x1xi32>, vector<256x1xi32>, vector<256x1xi32>, vector<256x1xi32>, vector<256x1xi32>, vector<256x1xi32> -> vector<256x20xi32>
    %mul3A_432 = arith.constant 2048 : i32
    %mul3A_433 = arith.muli %arg0, %mul3A_432 : i32
    %add3A_434 = vector.broadcast %mul3A_433 : i32 to vector<256x20xi32>
    %add3A_435 = arith.addi %concatenate3A, %add3A_434 : vector<256x20xi32>
    %broadcast_in_dim3A_436 = vector.shape_cast %add3A_435 : vector<256x20xi32> to vector<1x256x20xi32>
    %swap3A = arith.constant 0 : index
    %swap3A_437 = arith.constant 0 : index
    %swap3A_438 = arith.constant 0 : index
    %swap3A_439 = vector.load %arg6[%swap3A, %swap3A_437, %swap3A_438] : memref<1x256x20xi32, #tpu.memory_space<vmem>>, vector<1x256x20xi32>
    tpu.vector_store %arg6[%swap3A, %swap3A_437, %swap3A_438], %broadcast_in_dim3A_436 {strides = array<i32>} : memref<1x256x20xi32, #tpu.memory_space<vmem>>, vector<1x256x20xi32>,
    %get3A_440 = arith.constant 0 : index
    %get3A_441 = arith.constant 0 : index
    %get3A_442 = vector.load %arg4[%get3A_440, %get3A_441] : memref<32x64xf32, #tpu.memory_space<vmem>>, vector<32x64xf32>
    %dot_general3A_443 = arith.constant dense<0.000000e+00> : vector<256x64xf32>
    %dot_general3A_444 = tpu.matmul %get3A_8, %get3A_442, %dot_general3A_443 {dimension_numbers = #tpu.dot_dimension_numbers<[1], [0], [0], [1], [0, 0, 1, 1], [], []>, transpose_lhs_hint = false} : vector<256x32xf32>, vector<32x64xf32>, vector<256x64xf32> -> vector<256x64xf32>
    %broadcast_in_dim3A_445 = vector.shape_cast %dot_general3A_444 : vector<256x64xf32> to vector<1x256x64xf32>
    %swap3A_446 = arith.constant 0 : index
    %swap3A_447 = arith.constant 0 : index
    %swap3A_448 = arith.constant 0 : index
    %swap3A_449 = vector.load %arg7[%swap3A_446, %swap3A_447, %swap3A_448] : memref<1x256x64xf32, #tpu.memory_space<vmem>>, vector<1x256x64xf32>
    tpu.vector_store %arg7[%swap3A_446, %swap3A_447, %swap3A_448], %broadcast_in_dim3A_445 {strides = array<i32>} : memref<1x256x64xf32, #tpu.memory_space<vmem>>, vector<1x256x64xf32>,
    %get3A_450 = arith.constant 0 : index
    %get3A_451 = arith.constant 0 : index
    %get3A_452 = vector.load %arg5[%get3A_450, %get3A_451] : memref<32x64xf32, #tpu.memory_space<vmem>>, vector<32x64xf32>
    %dot_general3A_453 = arith.constant dense<0.000000e+00> : vector<256x64xf32>
    %dot_general3A_454 = tpu.matmul %get3A_8, %get3A_452, %dot_general3A_453 {dimension_numbers = #tpu.dot_dimension_numbers<[1], [0], [0], [1], [0, 0, 1, 1], [], []>, transpose_lhs_hint = false} : vector<256x32xf32>, vector<32x64xf32>, vector<256x64xf32> -> vector<256x64xf32>
    %broadcast_in_dim3A_455 = vector.shape_cast %dot_general3A_454 : vector<256x64xf32> to vector<1x256x64xf32>
    %swap3A_456 = arith.constant 0 : index
    %swap3A_457 = arith.constant 0 : index
    %swap3A_458 = arith.constant 0 : index
    %swap3A_459 = vector.load %arg8[%swap3A_456, %swap3A_457, %swap3A_458] : memref<1x256x64xf32, #tpu.memory_space<vmem>>, vector<1x256x64xf32>
    tpu.vector_store %arg8[%swap3A_456, %swap3A_457, %swap3A_458], %broadcast_in_dim3A_455 {strides = array<i32>} : memref<1x256x64xf32, #tpu.memory_space<vmem>>, vector<1x256x64xf32>,
    return
  }
  func.func @transform_0(%arg0: i32, %arg1: i32) -> (i32, i32, i32) {
    %c0_i32 = arith.constant 0 : i32
    %c0_i32_0 = arith.constant 0 : i32
    return %arg0, %arg1, %c0_i32 : i32, i32, i32
  }
  func.func @transform_1(%arg0: i32, %arg1: i32) -> (i32, i32, i32) {
    %c0_i32 = arith.constant 0 : i32
    %c0_i32_0 = arith.constant 0 : i32
    %c0_i32_1 = arith.constant 0 : i32
    return %arg0, %c0_i32, %c0_i32_0 : i32, i32, i32
  }
  func.func @transform_2(%arg0: i32, %arg1: i32) -> (i32, i32) {
    %c0_i32 = arith.constant 0 : i32
    %c0_i32_0 = arith.constant 0 : i32
    %c0_i32_1 = arith.constant 0 : i32
    return %c0_i32, %c0_i32_0 : i32, i32
  }
  func.func @transform_3(%arg0: i32, %arg1: i32) -> (i32, i32) {
    %c0_i32 = arith.constant 0 : i32
    %c0_i32_0 = arith.constant 0 : i32
    %c0_i32_1 = arith.constant 0 : i32
    return %c0_i32, %c0_i32_0 : i32, i32
  }
  func.func @transform_4(%arg0: i32, %arg1: i32) -> (i32, i32, i32) {
    %c0_i32 = arith.constant 0 : i32
    %c0_i32_0 = arith.constant 0 : i32
    return %arg0, %arg1, %c0_i32 : i32, i32, i32
  }
  func.func @transform_5(%arg0: i32, %arg1: i32) -> (i32, i32, i32) {
    %c0_i32 = arith.constant 0 : i32
    %c0_i32_0 = arith.constant 0 : i32
    return %arg0, %arg1, %c0_i32 : i32, i32, i32
  }
  func.func @transform_6(%arg0: i32, %arg1: i32) -> (i32, i32, i32) {
    %c0_i32 = arith.constant 0 : i32
    %c0_i32_0 = arith.constant 0 : i32
    return %arg0, %arg1, %c0_i32 : i32, i32, i32
  }
}

module attributes {stable_mosaic.version = 14 : i64} {
  func.func @_bn_kernel(%arg0: i32, %arg1: memref<1x2048x64xf32, #tpu.memory_space<vmem>>, %arg2: memref<1x2048x64xf32, #tpu.memory_space<vmem>>, %arg3: memref<1x64xf32, #tpu.memory_space<vmem>>, %arg4: memref<1x64xf32, #tpu.memory_space<vmem>>, %arg5: memref<1x2048x64xf32, #tpu.memory_space<vmem>>) attributes {dimension_semantics = [#tpu.dimension_semantics<arbitrary>], iteration_bounds = array<i64: 8>, scalar_prefetch = 0 : i64, scratch_operands = 0 : i64, tpu.core_type = #tpu.core_type<tc>, window_params = [{transform_indices = @transform_0, window_bounds = array<i64: 1, 2048, 64>}, {transform_indices = @transform_1, window_bounds = array<i64: 1, 2048, 64>}, {pipeline_mode = #tpu.pipeline_mode<synchronous>, transform_indices = @transform_2, window_bounds = array<i64: 1, 64>}, {pipeline_mode = #tpu.pipeline_mode<synchronous>, transform_indices = @transform_3, window_bounds = array<i64: 1, 64>}, {transform_indices = @transform_4, window_bounds = array<i64: 1, 2048, 64>}]} {
    %get3A = arith.constant 0 : index
    %get3A_0 = arith.constant 0 : index
    %get3A_1 = vector.load %arg3[%get3A, %get3A_0] : memref<1x64xf32, #tpu.memory_space<vmem>>, vector<1x64xf32>
    %get3A_2 = arith.constant 0 : index
    %get3A_3 = arith.constant 0 : index
    %get3A_4 = vector.load %arg4[%get3A_2, %get3A_3] : memref<1x64xf32, #tpu.memory_space<vmem>>, vector<1x64xf32>
    %ge3A = arith.constant 0.000000e+00 : f32
    %ge3A_5 = vector.broadcast %ge3A : f32 to vector<1x64xf32>
    %ge3A_6 = arith.cmpf oge, %get3A_1, %ge3A_5 : vector<1x64xf32>
    %get3A_7 = arith.constant 0 : index
    %get3A_8 = arith.constant 0 : index
    %get3A_9 = arith.constant 0 : index
    %get3A_10 = vector.load %arg1[%get3A_7, %get3A_8, %get3A_9] : memref<1x2048x64xf32, #tpu.memory_space<vmem>>, vector<1x2048x64xf32>
    %get3A_11 = vector.shape_cast %get3A_10 : vector<1x2048x64xf32> to vector<2048x64xf32>
    %get3A_12 = arith.constant 0 : index
    %get3A_13 = arith.constant 0 : index
    %get3A_14 = arith.constant 0 : index
    %get3A_15 = vector.load %arg2[%get3A_12, %get3A_13, %get3A_14] : memref<1x2048x64xf32, #tpu.memory_space<vmem>>, vector<1x2048x64xf32>
    %get3A_16 = vector.shape_cast %get3A_15 : vector<1x2048x64xf32> to vector<2048x64xf32>
    %broadcast_in_dim3A = vector.shape_cast %ge3A_6 : vector<1x64xi1> to vector<1x64xi1>
    %broadcast_in_dim3A_17 = vector.broadcast %broadcast_in_dim3A : vector<1x64xi1> to vector<2048x64xi1>
    %select_n3A = arith.select %broadcast_in_dim3A_17, %get3A_11, %get3A_16 : vector<2048x64xi1>, vector<2048x64xf32>
    %mul3A = vector.broadcast %get3A_1 : vector<1x64xf32> to vector<2048x64xf32>
    %mul3A_18 = arith.mulf %select_n3A, %mul3A : vector<2048x64xf32>
    %add3A = vector.broadcast %get3A_4 : vector<1x64xf32> to vector<2048x64xf32>
    %add3A_19 = arith.addf %mul3A_18, %add3A : vector<2048x64xf32>
    %ge3A_20 = arith.constant 0.000000e+00 : f32
    %ge3A_21 = vector.broadcast %ge3A_20 : f32 to vector<2048x64xf32>
    %ge3A_22 = arith.cmpf oge, %add3A_19, %ge3A_21 : vector<2048x64xf32>
    %mul3A_23 = arith.constant 2.000000e-01 : f32
    %mul3A_24 = vector.broadcast %mul3A_23 : f32 to vector<2048x64xf32>
    %mul3A_25 = arith.mulf %mul3A_24, %add3A_19 : vector<2048x64xf32>
    %select_n3A_26 = arith.select %ge3A_22, %add3A_19, %mul3A_25 : vector<2048x64xi1>, vector<2048x64xf32>
    %broadcast_in_dim3A_27 = vector.shape_cast %select_n3A_26 : vector<2048x64xf32> to vector<1x2048x64xf32>
    %swap3A = arith.constant 0 : index
    %swap3A_28 = arith.constant 0 : index
    %swap3A_29 = arith.constant 0 : index
    %swap3A_30 = vector.load %arg5[%swap3A, %swap3A_28, %swap3A_29] : memref<1x2048x64xf32, #tpu.memory_space<vmem>>, vector<1x2048x64xf32>
    tpu.vector_store %arg5[%swap3A, %swap3A_28, %swap3A_29], %broadcast_in_dim3A_27 {strides = array<i32>} : memref<1x2048x64xf32, #tpu.memory_space<vmem>>, vector<1x2048x64xf32>,
    return
  }
  func.func @transform_0(%arg0: i32) -> (i32, i32, i32) {
    %c0_i32 = arith.constant 0 : i32
    %c0_i32_0 = arith.constant 0 : i32
    %c0_i32_1 = arith.constant 0 : i32
    return %arg0, %c0_i32, %c0_i32_0 : i32, i32, i32
  }
  func.func @transform_1(%arg0: i32) -> (i32, i32, i32) {
    %c0_i32 = arith.constant 0 : i32
    %c0_i32_0 = arith.constant 0 : i32
    %c0_i32_1 = arith.constant 0 : i32
    return %arg0, %c0_i32, %c0_i32_0 : i32, i32, i32
  }
  func.func @transform_2(%arg0: i32) -> (i32, i32) {
    %c0_i32 = arith.constant 0 : i32
    %c0_i32_0 = arith.constant 0 : i32
    %c0_i32_1 = arith.constant 0 : i32
    return %c0_i32, %c0_i32_0 : i32, i32
  }
  func.func @transform_3(%arg0: i32) -> (i32, i32) {
    %c0_i32 = arith.constant 0 : i32
    %c0_i32_0 = arith.constant 0 : i32
    %c0_i32_1 = arith.constant 0 : i32
    return %c0_i32, %c0_i32_0 : i32, i32
  }
  func.func @transform_4(%arg0: i32) -> (i32, i32, i32) {
    %c0_i32 = arith.constant 0 : i32
    %c0_i32_0 = arith.constant 0 : i32
    %c0_i32_1 = arith.constant 0 : i32
    return %arg0, %c0_i32, %c0_i32_0 : i32, i32, i32
  }
}

</mosaic_0001>

<sc_bundles>
// kernel: kernel.5.cloned.1.call-start
scs
__scs_entry_jumppad:
0x0: {  	(pc) =	sbr.rel $0x88, $3  }
0x1: {  	(tag) =	ssettag $0x0;
	lr =	simm.s32 $0x1  }
0x2: {  	[smem:$0x3F9D] =	sst lr;
	_ =	strace $0xD0000000  }
0x3: {  	_ = 	snop  }
0x4: {  	_ = 	snop  }
0x5: {  	_ = 	snop  }
0x6: {  	_ = 	snop  }
0x7: {  	_ = 	snop  }
__scs_overlays_trampoline_lowered:
0x8: {  	[smem:$0x3FAC] =	sst s0  }
0x9: {  	[smem:$0x3FAD] =	sst s1  }
0xa: {  	[smem:$0x3FAE] =	sst s2  }
0xb: {  	[smem:$0x3FAF] =	sst s3  }
0xc: {  	[smem:$0x3FB0] =	sst s4  }
0xd: {  	[smem:$0x3FB1] =	sst s5  }
0xe: {  	[smem:$0x3FB2] =	sst s6  }
0xf: {  	[smem:$0x3FB3] =	sst s7  }
0x10: {  	[smem:$0x3FB4] =	sst s8  }
0x11: {  	[smem:$0x3FB5] =	sst s9;
	s0 =	simm.s32 @!p0 $0x0  }
0x12: {  	s1 =	sld [smem:$0x3F9B];
	s0 =	simm.s32 @p0 $0x1  }
0x13: {  	[smem:$0x3FB6] =	sst s0;
	s0 =	simm.s32 @!p1 $0x0  }
0x14: {  	s2 =	sld [smem:$0x3F9A];
	s0 =	simm.s32 @p1 $0x1  }
0x15: {  	[smem:$0x3FB7] =	sst s0;
	s0 =	simm.s32 @!p2 $0x0  }
0x16: {  	s3 =	sld [smem:$0x3FDB];
	s0 =	simm.s32 @p2 $0x1  }
0x17: {  	s4 =	simm.s32 $0x1BF5;
	[smem:$0x3FB9] =	sst s0  }
0x18: {  	s0 =	sld [smem:$0x3F9C];
	_ =	swait.ge [sflag:s4], $0x0  }
0x19: {  	s7 =	sld [smem:$0x3F9D]  }
0x1a: {  	s8 =	sadd.s32 $0xFFFFE003, lr  }
0x1b: {  	s9 =	sadd.s32 $0xFFFFFEF7, lr;
	s5 =	simm.s32 $0xFFFFFFFF;
	p2 =	slt.u32 s8, $0xFFFFF086  }
0x1c: {  	p1 =	slt.u32 s9, $0xF7A;
	s5 =	simm.s32 @!p2 $0x0  }
0x1d: {  	s5 =	simm.s32 @p1 $0x1;
	p0 =	seq.s32 s7, s2  }
0x1e: {  	s7 =	smul.u32 @!p0 $0xF7A, s2;
	p2 =	seq.s32 @!p0 s5, $0x0  }
0x1f: {  	s9 =	smul.u32 $0xF7A, s1;
	s8 =	simm.s32 @!p0 $0x1BF5;
	p2 =	por !p2, p0  }
0x20: {  	[sflag:s8] =	ssyncset.s32 @!p0 $0xFFFFF086;
	s6 =	sadd.s32 @!p0 s3, s7;
	s7 =	simm.s32 @!p0 $0x108  }
0x21: {  	s3 =	sadd.s32 s3, s9;
	s6 =	sadd.s32 @!p0 $0x88, s6;
	s7 =	simm.s32 @p2 $0x1082  }
0x22: {  	[simem:s7], [sflag:s8] =	dma.local @!p0 [hbm:s6], $0xF7A  }
0x23: {  	s9 =	sor.u32 $0xD0000000, s2;
	s6 =	simm.s32 $0x108;
	_ =	swait.ge @!p0 [sflag:s8], $0x0  }
0x24: {  	s3 =	sadd.s32 $0x88, s3;
	s6 =	simm.s32 @!p1 $0x1082;
	[sflag:s4] =	ssyncset.s32 $0xFFFFF086  }
0x25: {  	[simem:s6], [sflag:s4] =	dma.local [hbm:s3], $0xF7A  }
0x26: {  	[smem:$0x3F9D] =	sst s1;
	(tag) =	ssettag s2;
	_ =	strace s9  }
0x27: {  	s1 =	sld [smem:$0x3FAD]  }
0x28: {  	s2 =	sld [smem:$0x3FAE]  }
0x29: {  	s4 =	sld [smem:$0x3FB0]  }
0x2a: {  	p0 =	seq.s32 s5, $0x0;
	s5 =	sld [smem:$0x3FB1]  }
0x2b: {  	s6 =	sld [smem:$0x3FB2]  }
0x2c: {  	s7 =	sld [smem:$0x3FB3]  }
0x2d: {  	s3 =	simm.s32 $0x108;
	s8 =	sld [smem:$0x3FB4]  }
0x2e: {  	s3 =	simm.s32 @!p0 $0x1082;
	s9 =	sld [smem:$0x3FB5]  }
0x2f: {  	lr =	sadd.s32 s0, s3;
	s0 =	sld [smem:$0x3FAC]  }
0x30: {  	s3 =	sld [smem:$0x3FAF]  }
0x31: {  	[smem:$0x3FB8] =	sst s10  }
0x32: {  	s10 =	sld [smem:$0x3FB6];
	_ =	sdelay $0x3  }
0x33: {  	p0 =	seq.s32 s10, $0x1;
	s10 =	sld [smem:$0x3FB8];
	_ =	sdelay $0x3  }
0x34: {  	[smem:$0x3FB8] =	sst s10  }
0x35: {  	s10 =	sld [smem:$0x3FB7];
	_ =	sdelay $0x3  }
0x36: {  	p1 =	seq.s32 s10, $0x1;
	s10 =	sld [smem:$0x3FB8];
	_ =	sdelay $0x3  }
0x37: {  	[smem:$0x3FB8] =	sst s10  }
0x38: {  	s10 =	sld [smem:$0x3FB9]  }
0x39: {  	_ = 	snop;
	(pc) =	sbr.ind lr, $3  }
0x3a: {  	_ = 	snop  }
0x3b: {  	_ = 	snop  }
0x3c: {  	p2 =	seq.s32 s10, $0x1;
	s10 =	sld [smem:$0x3FB8]  }
0x3d: {  	_ =	shalt  }
0x3e: {  	_ =	shalt  }
0x3f: {  	_ =	shalt  }
0x40: {  	_ =	shalt  }
0x41: {  	_ =	shalt  }
0x42: {  	_ =	shalt  }
0x43: {  	_ =	shalt  }
0x44: {  	_ =	shalt  }
0x45: {  	_ =	shalt  }
0x46: {  	_ =	shalt  }
0x47: {  	_ =	shalt  }
0x48: {  	_ =	shalt  }
0x49: {  	_ =	shalt  }
0x4a: {  	_ =	shalt  }
0x4b: {  	_ =	shalt  }
0x4c: {  	_ =	shalt  }
0x4d: {  	_ =	shalt  }
0x4e: {  	_ =	shalt  }
0x4f: {  	_ =	shalt  }
0x50: {  	_ =	shalt  }
0x51: {  	_ =	shalt  }
0x52: {  	_ =	shalt  }
0x53: {  	_ =	shalt  }
0x54: {  	_ =	shalt  }
0x55: {  	_ =	shalt  }
0x56: {  	_ =	shalt  }
0x57: {  	_ =	shalt  }
0x58: {  	_ =	shalt  }
0x59: {  	_ =	shalt  }
0x5a: {  	_ =	shalt  }
0x5b: {  	_ =	shalt  }
0x5c: {  	_ =	shalt  }
0x5d: {  	_ =	shalt  }
0x5e: {  	_ =	shalt  }
0x5f: {  	_ =	shalt  }
0x60: {  	_ =	shalt  }
0x61: {  	_ =	shalt  }
0x62: {  	_ =	shalt  }
0x63: {  	_ =	shalt  }
0x64: {  	_ =	shalt  }
0x65: {  	_ =	shalt  }
0x66: {  	_ =	shalt  }
0x67: {  	_ =	shalt  }
0x68: {  	_ =	shalt  }
0x69: {  	_ =	shalt  }
0x6a: {  	_ =	shalt  }
0x6b: {  	_ =	shalt  }
0x6c: {  	_ =	shalt  }
0x6d: {  	_ =	shalt  }
0x6e: {  	_ =	shalt  }
0x6f: {  	_ =	shalt  }
0x70: {  	_ =	shalt  }
0x71: {  	_ =	shalt  }
0x72: {  	_ =	shalt  }
0x73: {  	_ =	shalt  }
0x74: {  	_ =	shalt  }
0x75: {  	_ =	shalt  }
0x76: {  	_ =	shalt  }
0x77: {  	_ =	shalt  }
0x78: {  	_ =	shalt  }
0x79: {  	_ =	shalt  }
0x7a: {  	_ =	shalt  }
0x7b: {  	_ =	shalt  }
0x7c: {  	_ =	shalt  }
0x7d: {  	_ =	shalt  }
0x7e: {  	_ =	shalt  }
0x7f: {  	_ =	shalt  }
0x80: {  	_ =	shalt  }
0x81: {  	_ =	shalt  }
0x82: {  	_ =	shalt  }
0x83: {  	_ =	shalt  }
0x84: {  	_ =	shalt  }
0x85: {  	_ =	shalt  }
0x86: {  	_ =	shalt  }
0x87: {  	_ =	shalt  }
.Lfunc_end0:
.L_simem_size_0:
called_computation_lowered:
.L_overlay_start_0:
0x88: {  	s2 =	sld [smem:$0x3FD9]  }
0x89: {  	s3 =	sld [smem:$0x3FFE];
	_ =	sdelay $0x1  }
0x8a: {  	s1 =	srdreg.scid  }
0x8b: {  	s0 =	sand.u32 $0x1, s1  }
0x8c: {  	s17 =	sshll.u32 s0, $0xA;
	s2 =	sadd.s32 s3, s2  }
0x8d: {  	s2 =	sadd.s32 s2, s17  }
0x8e: {  	[smem:$0x3FC4] =	sst s2  }
0x8f: {  	_ = 	snop  }
0x90: {  	s2 =	sld [smem:$0x3FD0];
	(tm) =	ssettm $0x1  }
0x91: {  	s18 =	sld [smem:$0x3FFB];
	_ =	sdelay $0x3  }
0x92: {  	_ =	strace s18  }
0x93: {  	s3 =	sld [smem:$0x3FFC];
	_ =	sdelay $0x3  }
0x94: {  	_ =	strace s3  }
0x95: {  	s3 =	sld [smem:$0x3FFD];
	_ =	sdelay $0x3  }
0x96: {  	_ =	strace s3  }
0x97: {  	_ =	strace $0x8FFFFFFF  }
0x98: {  	s19 =	sld [smem:$0x3FDB];
	_ =	sdelay $0x1  }
0x99: {  	s4 =	simm.s32 $_scs_section_size  }
0x9a: {  	s5 =	simm.s32 $_size__tile_overlayer_lowered;
	s6 =	simm.s32 $_tile_overlayer_lowered  }
0x9b: {  	s22 =	simm.s32 $0x1BFF;
	s21 =	sshll.u32 s6, $0x1;
	s3 =	sadd.s32 s4, s19  }
0x9c: {  	s7 =	simm.s32 $0x0;
	s20 =	sshll.u32 s5, $0x1;
	s5 =	sadd.s32 s21, s3  }
0x9d: {  	[timem:s7], [sflag:s22] =	dma.local [hbm:s5], s20  }
0x9e: {  	_ =	swait.ge [sflag:s22], s20  }
0x9f: {  	s4 =	ssub.s32 $0x0, s20;
	[sflag:s22] =	ssyncset.done $0x0  }
0xa0: {  	[sflag:s22] =	ssyncadd.s32 s4;
	_ =	sdelay $0x1  }
0xa1: {  	s23 =	simm.s32 $0x1B8B  }
0xa2: {  	_ =	swait.ge [sflag:s23], $0x1  }
0xa3: {  	[sflag:s23] =	ssyncset.done $0x0  }
0xa4: {  	s25 =	simm.s32 $0x1B8E;
	s24 =	sld [smem:$0x3FFE];
	[sflag:s23] =	ssyncadd.s32 $0xFFFFFFFF  }
0xa5: {  	s26 =	simm.s32 $execute0_lowered;
	[smem:$0x3FD2] =	sst s25  }
0xa6: {  	s5 =	sshll.u32 s26, $0x1;
	_ =	strace $0x80000046;
	[dreg:$0x1] =	wrdreg $0xFFFFFFFF  }
0xa7: {  	s28 =	simm.s32 $_size_execute0_lowered;
	s3 =	sadd.s32 s3, s5;
	[dreg:$0x0] =	wrdreg $0x0  }
0xa8: {  	s5 =	sshll.u32 s28, $0x1;
	[dreg:$0x2] =	wrdreg s3  }
0xa9: {  	[dreg:$0x3] =	wrdreg s5  }
0xaa: {  	[dreg:$0x4] =	wrdreg $0xC0  }
0xab: {  	_ =	task [dreg:s7], $0x5FFFF  }
0xac: {  	[dreg:$0x1] =	wrdreg $0xFFFFFFFF  }
0xad: {  	[dreg:$0x0] =	wrdreg $0x60  }
0xae: {  	[dreg:$0x2] =	wrdreg s2  }
0xaf: {  	[dreg:$0x3] =	wrdreg s24  }
0xb0: {  	[dreg:$0x4] =	wrdreg $0x9  }
0xb1: {  	_ =	task.clear_ibuf [dreg:s7], $0x5FFFF;
	_ =	strace $0x90000046  }
0xb2: {  	s29 =	simm.s32 $0x9;
	_ =	strace $0x80000048  }
0xb3: {  	_ =	swait.ge [sflag:s29], $0x1  }
0xb4: {  	[sflag:s29] =	ssyncadd.s32 $0xFFFFFFFF  }
0xb5: {  	_ =	strace $0x90000048  }
0xb6: {  	_ =	sfence  }
0xb7: {  	s30 =	sld [smem:$0x0];
	_ =	sdelay $0x2  }
0xb8: {  	s31 =	sshll.u32 s1, $0xD;
	s1 =	sshrl.u32 s1, $0x2  }
0xb9: {  	s3 =	sand.u32 $0x4000, s31;
	s1 =	sadd.s32 s1, s30  }
0xba: {  	s0 =	sor.u32 s3, s0;
	s1 =	sshll.u32 s1, $0x11  }
0xbb: {  	s0 =	sor.u32 s1, s0  }
0xbc: {  	s0 =	sadd.s32 $0x8F2B, s0  }
0xbd: {  	[sflag:s0] =	ssyncadd.remote.s32 $0x1  }
0xbe: {  	_ =	sfence.sel $0xFFFF  }
0xbf: {  	[dreg:$0x0] =	wrdreg $0xFFFFFFFF;
	(pc) =	sbr.abs _section_cstart, $3  }
0xc0: {  	[dreg:$0x1] =	wrdreg $0xFFFFFFFF  }
0xc1: {  	_ =	task.clear_ibuf [dreg:s7], $0x2FFFF;
	_ =	strace $0x9FFFFFFF  }
0xc2: {  	(tm) =	ssettm $0x7FFFFFFF  }
0xc3: {  	_ =	shalt  }
tec
execute0_lowered:
.L_overlay_start_1:
0x0: {  	(tag) =	ssettag $0x1  }
0x1: {  	s0 =	srdreg.scid;
	s2 =	rddreg [dreg:$0x0]  }
0x2: {  	s1 =	stileid.u32;
	s7 =	rddreg [dreg:$0x1];
	s3 =	simm.s32 $0x0  }
0x3: {  	s12 =	simm.s32 $0x2;
	s13 =	simm.s32 $0x16800;
	s14 =	simm.s32 $0x80  }
0x4: {  	s15 =	simm.s32 $0x4800;
	s16 =	simm.s32 $0x6800;
	s17 =	simm.s32 $0x8800  }
0x5: {  	s18 =	simm.s32 $0xA800;
	s19 =	simm.s32 $0xC800;
	s20 =	simm.s32 $0xE800  }
0x6: {  	s21 =	simm.s32 $0x10800;
	s22 =	simm.s32 $0x12800;
	s23 =	simm.s32 $0x14800  }
0x7: {  	s24 =	simm.s32 $0x1;
	s0 =	sand.u32 $0x1, s0;
	s1 =	sshll.u32 s1, $0x1  }
0x8: {  	s25 =	simm.s32 $0x17800;
	s26 =	simm.s32 $0x18800;
	s1 =	sor.u32 s0, s1  }
0x9: {  	s30 =	simm.s32 $0x0;
	[smem:$0x7FF] =	sst s3;
	s4 =	smul.u32 $0x500, s1  }
0xa: {  	s5 =	sadd.s32 $0x4B800, s7;
	s6 =	sadd.s32 $0x2B800, s7;
	_ =	strace $0x80000047  }
0xb: {  	s0 =	ssub.s32 $0x2, s0;
	s9 =	sshll.u32 s1, $0x3;
	s8 =	sadd.s32 s4, s7  }
0xc: {  	s4 =	sadd.s32 $0xB400, s7;
	s7 =	sadd.s32 s9, s7;
	s8 =	sadd.s32 $0x1400, s8  }
0xd: {  	s28 =	sshrl.u32 s0, $0x1;
	s29 =	sadd.s32 $0x2B600, s7;
	[dreg:$0x3] =	wrdreg s8  }
0xe: {  	s0 =	ssub.s32 s0, s28;
	s31 =	sadd.s32 $0x2B400, s7;
	[dreg:$0x4] =	wrdreg s29  }
0xf: {  	v0 =	vimm.f32 $0.0e+00;
	s11 =	smax.u32 s0, $0x1;
	s8 =	sshll.u32 s1, $0xC;
	[dreg:$0x5] =	wrdreg s31  }
.LBB2_1:
0x10: {  	[tilespmem:$0x19800] =	vst v0  }
0x11: {  	[tilespmem:$0x19840] =	vst v0  }
0x12: {  	[tilespmem:$0x19810] =	vst v0  }
0x13: {  	[tilespmem:$0x19850] =	vst v0  }
0x14: {  	[tilespmem:$0x19820] =	vst v0  }
0x15: {  	[tilespmem:$0x19860] =	vst v0  }
0x16: {  	[tilespmem:$0x19830] =	vst v0  }
0x17: {  	[tilespmem:$0x19870] =	vst v0;
	s0 =	rddreg [dreg:$0x3]  }
0x18: {  	[tilespmem:s3], [sflag:$0x2] =	stream.linear.gather [hbm4b:s0+s3], $0x2800, $0x38;
	[tilespmem:$0x19880] =	vst v63  }
0x19: {  	_ =	swait.ge [sflag:s12], $0x2800  }
0x1a: {  	[sflag:s12] =	ssyncset.done $0x0  }
0x1b: {  	s31 =	simm.s32 $0x0;
	[sflag:s12] =	ssyncadd.s32 $0xFFFFD800  }
.LBB2_2:
0x1c: {  	s0 =	sshll.u32 s31, $0x9  }
0x1d: {  	s1 =	sadd.s32 s8, s0  }
0x1e: {  	s0 =	simm.s32 $0x0;
	s7 =	sadd.s32 s4, s1  }
0x1f: {  	[tilespmem:s13], [sflag:$0x2] =	stream.linear.gather [hbm4b:s7+s0], $0x1000, $0x38;
	[tilespmem:$0x19880] =	vst v63  }
0x20: {  	s10 =	smul.u32 $0x1400, s31;
	_ =	swait.ge [sflag:s12], $0x1000  }
0x21: {  	[sflag:s12] =	ssyncset.done $0x0  }
0x22: {  	s28 =	simm.s32 $0x2800;
	s7 =	sshra.s32 s10, $0x2;
	[sflag:s12] =	ssyncadd.s32 $0xFFFFF000  }
0x23: {  	[tilespmem:s28], [sflag:$0x1] =	stream.indirect.gather [hbm4b:s2+s14], $0x40, s7, s14, $0xb8;
	[tilespmem:$0x19880] =	vst v63  }
0x24: {  	s9 =	sor.u32 $0x80, s7  }
0x25: {  	[tilespmem:s15], [sflag:$0x1] =	stream.indirect.gather [hbm4b:s2+s14], $0x40, s9, s14, $0xb8;
	[tilespmem:$0x19880] =	vst v63  }
0x26: {  	s29 =	sadd.s32 $0x100, s7  }
0x27: {  	[tilespmem:s16], [sflag:$0x1] =	stream.indirect.gather [hbm4b:s2+s14], $0x40, s29, s14, $0xb8;
	[tilespmem:$0x19880] =	vst v63  }
0x28: {  	s10 =	sadd.s32 $0x180, s7  }
0x29: {  	[tilespmem:s17], [sflag:$0x1] =	stream.indirect.gather [hbm4b:s2+s14], $0x40, s10, s14, $0xb8;
	[tilespmem:$0x19880] =	vst v63  }
0x2a: {  	s29 =	sadd.s32 $0x200, s7  }
0x2b: {  	[tilespmem:s18], [sflag:$0x1] =	stream.indirect.gather [hbm4b:s2+s14], $0x40, s29, s14, $0xb8;
	[tilespmem:$0x19880] =	vst v63  }
0x2c: {  	s10 =	sadd.s32 $0x280, s7  }
0x2d: {  	[tilespmem:s19], [sflag:$0x1] =	stream.indirect.gather [hbm4b:s2+s14], $0x40, s10, s14, $0xb8;
	[tilespmem:$0x19880] =	vst v63  }
0x2e: {  	s29 =	sadd.s32 $0x300, s7  }
0x2f: {  	[tilespmem:s20], [sflag:$0x1] =	stream.indirect.gather [hbm4b:s2+s14], $0x40, s29, s14, $0xb8;
	[tilespmem:$0x19880] =	vst v63  }
0x30: {  	s10 =	sadd.s32 $0x380, s7  }
0x31: {  	[tilespmem:s21], [sflag:$0x1] =	stream.indirect.gather [hbm4b:s2+s14], $0x40, s10, s14, $0xb8;
	[tilespmem:$0x19880] =	vst v63  }
0x32: {  	s29 =	sadd.s32 $0x400, s7  }
0x33: {  	[tilespmem:s22], [sflag:$0x1] =	stream.indirect.gather [hbm4b:s2+s14], $0x40, s29, s14, $0xb8;
	[tilespmem:$0x19880] =	vst v63  }
0x34: {  	s7 =	sadd.s32 $0x480, s7  }
0x35: {  	[tilespmem:s23], [sflag:$0x1] =	stream.indirect.gather [hbm4b:s2+s14], $0x40, s7, s14, $0xb8;
	[tilespmem:$0x19880] =	vst v63  }
0x36: {  	_ =	swait.ge [sflag:s24], $0x2000  }
0x37: {  	[sflag:s24] =	ssyncset.done $0x0  }
0x38: {  	[sflag:s24] =	ssyncadd.s32 $0xFFFFE000  }
0x39: {  	_ =	swait.ge [sflag:s24], $0x2000  }
0x3a: {  	[sflag:s24] =	ssyncset.done $0x0  }
0x3b: {  	[sflag:s24] =	ssyncadd.s32 $0xFFFFE000  }
0x3c: {  	_ =	swait.ge [sflag:s24], $0x2000  }
0x3d: {  	[sflag:s24] =	ssyncset.done $0x0  }
0x3e: {  	[sflag:s24] =	ssyncadd.s32 $0xFFFFE000  }
0x3f: {  	_ =	swait.ge [sflag:s24], $0x2000  }
0x40: {  	[sflag:s24] =	ssyncset.done $0x0  }
0x41: {  	[sflag:s24] =	ssyncadd.s32 $0xFFFFE000  }
0x42: {  	_ =	swait.ge [sflag:s24], $0x2000  }
0x43: {  	[sflag:s24] =	ssyncset.done $0x0  }
0x44: {  	[sflag:s24] =	ssyncadd.s32 $0xFFFFE000  }
0x45: {  	_ =	swait.ge [sflag:s24], $0x2000  }
0x46: {  	[sflag:s24] =	ssyncset.done $0x0  }
0x47: {  	[sflag:s24] =	ssyncadd.s32 $0xFFFFE000  }
0x48: {  	_ =	swait.ge [sflag:s24], $0x2000  }
0x49: {  	[sflag:s24] =	ssyncset.done $0x0  }
0x4a: {  	[sflag:s24] =	ssyncadd.s32 $0xFFFFE000  }
0x4b: {  	_ =	swait.ge [sflag:s24], $0x2000  }
0x4c: {  	[sflag:s24] =	ssyncset.done $0x0  }
0x4d: {  	[sflag:s24] =	ssyncadd.s32 $0xFFFFE000  }
0x4e: {  	_ =	swait.ge [sflag:s24], $0x2000  }
0x4f: {  	[sflag:s24] =	ssyncset.done $0x0  }
0x50: {  	[sflag:s24] =	ssyncadd.s32 $0xFFFFE000  }
0x51: {  	_ =	swait.ge [sflag:s24], $0x2000  }
0x52: {  	[sflag:s24] =	ssyncset.done $0x0  }
0x53: {  	[sflag:s24] =	ssyncadd.s32 $0xFFFFE000  }
.LBB2_3:
0x54: {  	v1 =	vmov s28  }
0x55: {  	s7 =	smul.u32 $0x1400, s0;
	_ =	sdelay $0x1  }
0x56: {  	s7 =	sshra.s32 s7, $0x2  }
0x57: {  	s9 =	simm.s32 $0x40;
	v2 =	vld [tilespmem:s7+$0x2800]  }
0x58: {  	v4 =	vld.idx.msk [tilespmem:v1+s9+$0x0 ss:$0x1], $0xffff;
	_ =	sdelay $0x3  }
0x59: {  	v3 =	vmul.f32 v2, v2  }
0x5a: {  	s29 =	simm.s32 $0x300;
	s9 =	simm.s32 $0x80;
	v5 =	vmax.f32 v2, v4;
	v6 =	vmin.f32 v2, v4;
	v7 =	vmul.f32 v4, v4  }
.LBB2_4:
0x5b: {  	p0 =	sne.s32 s29, $0x1300;
	v2 =	vadd.f32 v4, v2;
	v4 =	vld.idx.msk [tilespmem:v1+s9+$0x0 ss:$0x1], $0xffff  }
0x5c: {  	v3 =	vadd.f32 v7, v3  }
.Ltmp0:
0x5d: {  	(pc) =	sbr.rel @p0 .LBB2_4-.Ltmp0, $2  }
0x5e: {  	_ =	sdelay $0x2  }
0x5f: {  	s9 =	sshra.s32 s29, $0x2;
	s29 =	sadd.s32 $0x100, s29;
	v5 =	vmax.f32 v5, v4;
	v6 =	vmin.f32 v6, v4;
	v7 =	vmul.f32 v4, v4  }
0x60: {  	_ =	sdelay $0x3  }
0x61: {  	v8 =	vld.idx.msk [tilespmem:v1+s9+$0x0 ss:$0x1], $0xffff;
	s29 =	sshll.u32 s0, $0x6  }
0x62: {  	v9 =	vld [tilespmem:s29+$0x16800];
	_ =	sdelay $0x3  }
0x63: {  	v5 =	vmax.f32 v5, v8  }
0x64: {  	v6 =	vmin.f32 v6, v8;
	v5 =	vadd.f32 v9, v5  }
0x65: {  	v6 =	vadd.f32 v9, v6  }
0x66: {  	[tilespmem:s29+$0x17800] =	vst v5  }
0x67: {  	[tilespmem:s29+$0x18800] =	vst v6  }
0x68: {  	v2 =	vadd.f32 v4, v2;
	v4 =	vld [tilespmem:$0x19840]  }
0x69: {  	v3 =	vadd.f32 v7, v3;
	v5 =	vmul.f32 v8, v8;
	v6 =	vld [tilespmem:$0x19800]  }
0x6a: {  	v2 =	vadd.f32 v8, v2  }
0x6b: {  	v3 =	vadd.f32 v5, v3;
	v5 =	vadd.f32 v9, v9;
	_ =	sdelay $0x1  }
0x6c: {  	v7 =	vmul.f32 $2.000000000e+01, v9;
	v3 =	vadd.f32 v4, v3;
	v4 =	vmul.f32 v5, v2  }
0x6d: {  	v2 =	vadd.f32 v6, v2  }
0x6e: {  	v3 =	vadd.f32 v3, v4;
	v4 =	vmul.f32 v7, v9  }
0x6f: {  	v2 =	vadd.f32 v2, v7  }
0x70: {  	v3 =	vadd.f32 v3, v4  }
0x71: {  	[tilespmem:$0x19800] =	vst v2  }
0x72: {  	[tilespmem:$0x19840] =	vst v3  }
0x73: {  	s10 =	simm.s32 $0x50;
	v2 =	vld [tilespmem:s7+$0x2810]  }
0x74: {  	v4 =	vld.idx.msk [tilespmem:v1+s10+$0x0 ss:$0x1], $0xffff;
	_ =	sdelay $0x3  }
0x75: {  	v3 =	vmul.f32 v2, v2  }
0x76: {  	s9 =	simm.s32 $0x340;
	s10 =	simm.s32 $0x90;
	v5 =	vmax.f32 v2, v4;
	v6 =	vmin.f32 v2, v4;
	v7 =	vmul.f32 v4, v4  }
.LBB2_6:
0x77: {  	p0 =	sne.s32 s9, $0x1340;
	v2 =	vadd.f32 v4, v2;
	v4 =	vld.idx.msk [tilespmem:v1+s10+$0x0 ss:$0x1], $0xffff  }
0x78: {  	v3 =	vadd.f32 v7, v3  }
.Ltmp1:
0x79: {  	(pc) =	sbr.rel @p0 .LBB2_6-.Ltmp1, $2  }
0x7a: {  	_ =	sdelay $0x2  }
0x7b: {  	s10 =	sshra.s32 s9, $0x2;
	s9 =	sadd.s32 $0x100, s9;
	v5 =	vmax.f32 v5, v4;
	v6 =	vmin.f32 v6, v4;
	v7 =	vmul.f32 v4, v4  }
0x7c: {  	_ =	sdelay $0x3  }
0x7d: {  	v8 =	vld.idx.msk [tilespmem:v1+s10+$0x0 ss:$0x1], $0xffff  }
0x7e: {  	v9 =	vld [tilespmem:s29+$0x16810];
	_ =	sdelay $0x3  }
0x7f: {  	v5 =	vmax.f32 v5, v8  }
0x80: {  	v6 =	vmin.f32 v6, v8;
	v5 =	vadd.f32 v9, v5  }
0x81: {  	v6 =	vadd.f32 v9, v6  }
0x82: {  	[tilespmem:s29+$0x17810] =	vst v5  }
0x83: {  	[tilespmem:s29+$0x18810] =	vst v6  }
0x84: {  	v2 =	vadd.f32 v4, v2;
	v4 =	vld [tilespmem:$0x19850]  }
0x85: {  	v3 =	vadd.f32 v7, v3;
	v5 =	vmul.f32 v8, v8;
	v6 =	vld [tilespmem:$0x19810]  }
0x86: {  	v2 =	vadd.f32 v8, v2  }
0x87: {  	v3 =	vadd.f32 v5, v3;
	v5 =	vadd.f32 v9, v9;
	_ =	sdelay $0x1  }
0x88: {  	v7 =	vmul.f32 $2.000000000e+01, v9;
	v3 =	vadd.f32 v4, v3;
	v4 =	vmul.f32 v5, v2  }
0x89: {  	v2 =	vadd.f32 v6, v2  }
0x8a: {  	v3 =	vadd.f32 v3, v4;
	v4 =	vmul.f32 v7, v9  }
0x8b: {  	v2 =	vadd.f32 v2, v7  }
0x8c: {  	v3 =	vadd.f32 v3, v4  }
0x8d: {  	[tilespmem:$0x19810] =	vst v2  }
0x8e: {  	[tilespmem:$0x19850] =	vst v3  }
0x8f: {  	s9 =	simm.s32 $0x60;
	v2 =	vld [tilespmem:s7+$0x2820]  }
0x90: {  	v4 =	vld.idx.msk [tilespmem:v1+s9+$0x0 ss:$0x1], $0xffff;
	_ =	sdelay $0x3  }
0x91: {  	v3 =	vmul.f32 v2, v2  }
0x92: {  	s10 =	simm.s32 $0xA0;
	s9 =	simm.s32 $0x380;
	v5 =	vmax.f32 v2, v4;
	v6 =	vmin.f32 v2, v4;
	v7 =	vmul.f32 v4, v4  }
.LBB2_8:
0x93: {  	p0 =	sne.s32 s9, $0x1380;
	v2 =	vadd.f32 v4, v2;
	v4 =	vld.idx.msk [tilespmem:v1+s10+$0x0 ss:$0x1], $0xffff  }
0x94: {  	v3 =	vadd.f32 v7, v3  }
.Ltmp2:
0x95: {  	(pc) =	sbr.rel @p0 .LBB2_8-.Ltmp2, $2  }
0x96: {  	_ =	sdelay $0x2  }
0x97: {  	s10 =	sshra.s32 s9, $0x2;
	s9 =	sadd.s32 $0x100, s9;
	v5 =	vmax.f32 v5, v4;
	v6 =	vmin.f32 v6, v4;
	v7 =	vmul.f32 v4, v4  }
0x98: {  	_ =	sdelay $0x3  }
0x99: {  	v8 =	vld.idx.msk [tilespmem:v1+s10+$0x0 ss:$0x1], $0xffff  }
0x9a: {  	v9 =	vld [tilespmem:s29+$0x16820];
	_ =	sdelay $0x3  }
0x9b: {  	v5 =	vmax.f32 v5, v8  }
0x9c: {  	v6 =	vmin.f32 v6, v8;
	v5 =	vadd.f32 v9, v5  }
0x9d: {  	v6 =	vadd.f32 v9, v6  }
0x9e: {  	[tilespmem:s29+$0x17820] =	vst v5  }
0x9f: {  	[tilespmem:s29+$0x18820] =	vst v6  }
0xa0: {  	v2 =	vadd.f32 v4, v2;
	v4 =	vld [tilespmem:$0x19860]  }
0xa1: {  	v3 =	vadd.f32 v7, v3;
	v5 =	vmul.f32 v8, v8;
	v6 =	vld [tilespmem:$0x19820]  }
0xa2: {  	v2 =	vadd.f32 v8, v2  }
0xa3: {  	v3 =	vadd.f32 v5, v3;
	v5 =	vadd.f32 v9, v9;
	_ =	sdelay $0x1  }
0xa4: {  	v7 =	vmul.f32 $2.000000000e+01, v9;
	v3 =	vadd.f32 v4, v3;
	v4 =	vmul.f32 v5, v2  }
0xa5: {  	v2 =	vadd.f32 v6, v2  }
0xa6: {  	v3 =	vadd.f32 v3, v4;
	v4 =	vmul.f32 v7, v9  }
0xa7: {  	v2 =	vadd.f32 v2, v7  }
0xa8: {  	v3 =	vadd.f32 v3, v4  }
0xa9: {  	[tilespmem:$0x19820] =	vst v2  }
0xaa: {  	[tilespmem:$0x19860] =	vst v3  }
0xab: {  	s10 =	simm.s32 $0x70;
	v2 =	vld [tilespmem:s7+$0x2830]  }
0xac: {  	v4 =	vld.idx.msk [tilespmem:v1+s10+$0x0 ss:$0x1], $0xffff;
	_ =	sdelay $0x3  }
0xad: {  	v3 =	vmul.f32 v2, v2  }
0xae: {  	s9 =	simm.s32 $0xB0;
	s7 =	simm.s32 $0x3C0;
	v5 =	vmax.f32 v2, v4;
	v6 =	vmin.f32 v2, v4;
	v7 =	vmul.f32 v4, v4  }
.LBB2_10:
0xaf: {  	p0 =	sne.s32 s7, $0x13C0;
	v2 =	vadd.f32 v4, v2;
	v4 =	vld.idx.msk [tilespmem:v1+s9+$0x0 ss:$0x1], $0xffff  }
0xb0: {  	v3 =	vadd.f32 v7, v3  }
.Ltmp3:
0xb1: {  	(pc) =	sbr.rel @p0 .LBB2_10-.Ltmp3, $2  }
0xb2: {  	_ =	sdelay $0x2  }
0xb3: {  	s9 =	sshra.s32 s7, $0x2;
	s7 =	sadd.s32 $0x100, s7;
	v5 =	vmax.f32 v5, v4;
	v6 =	vmin.f32 v6, v4;
	v7 =	vmul.f32 v4, v4  }
0xb4: {  	_ =	sdelay $0x3  }
0xb5: {  	v1 =	vld.idx.msk [tilespmem:v1+s9+$0x0 ss:$0x1], $0xffff  }
0xb6: {  	v8 =	vld [tilespmem:s29+$0x16830];
	_ =	sdelay $0x3  }
0xb7: {  	v5 =	vmax.f32 v5, v1  }
0xb8: {  	v6 =	vmin.f32 v6, v1;
	v5 =	vadd.f32 v8, v5  }
0xb9: {  	v6 =	vadd.f32 v8, v6  }
0xba: {  	[tilespmem:s29+$0x17830] =	vst v5  }
0xbb: {  	[tilespmem:s29+$0x18830] =	vst v6  }
0xbc: {  	v2 =	vadd.f32 v4, v2;
	v61 =	vld [tilespmem:$0x19870]  }
0xbd: {  	v3 =	vadd.f32 v7, v3;
	v62 =	vmul.f32 v1, v1;
	v6 =	vld [tilespmem:$0x19830]  }
0xbe: {  	v1 =	vadd.f32 v1, v2  }
0xbf: {  	v2 =	vadd.f32 v62, v3;
	v3 =	vadd.f32 v8, v8;
	_ =	sdelay $0x1  }
0xc0: {  	s0 =	sadd.s32 $0x1, s0;
	v63 =	vmul.f32 $2.000000000e+01, v8;
	v3 =	vmul.f32 v3, v1;
	v2 =	vadd.f32 v61, v2  }
0xc1: {  	p0 =	sne.s32 s0, $0x40;
	v1 =	vadd.f32 v6, v1  }
.Ltmp4:
0xc2: {  	v2 =	vadd.f32 v2, v3;
	v3 =	vmul.f32 v63, v8;
	(pc) =	sbr.rel @p0 .LBB2_3-.Ltmp4, $4  }
0xc3: {  	v1 =	vadd.f32 v1, v63  }
0xc4: {  	v2 =	vadd.f32 v2, v3  }
0xc5: {  	[tilespmem:$0x19830] =	vst v1  }
0xc6: {  	s28 =	sadd.s32 $0x500, s28;
	[tilespmem:$0x19870] =	vst v2  }
0xc7: {  	s0 =	sadd.s32 s5, s1  }
0xc8: {  	[hbm4b:s0+s3] =	stream.linear.scatter [tilespmem:s25], [sflag:$0x2], $0x1000, $0x38;
	[tilespmem:$0x19880] =	vst v63  }
0xc9: {  	s31 =	sadd.s32 $0x1, s31;
	_ =	swait.ge [sflag:s12], $0x1000  }
0xca: {  	p0 =	sne.s32 s31, $0x8;
	[sflag:s12] =	ssyncset.done $0x0  }
.Ltmp5:
0xcb: {  	s29 =	sadd.s32 s6, s1;
	[sflag:s12] =	ssyncadd.s32 $0xFFFFF000;
	(pc) =	sbr.rel @p0 .LBB2_2-.Ltmp5, $4  }
0xcc: {  	[hbm4b:s29+s3] =	stream.linear.scatter [tilespmem:s26], [sflag:$0x2], $0x1000, $0x38;
	[tilespmem:$0x19880] =	vst v63  }
0xcd: {  	_ =	swait.ge [sflag:s12], $0x1000  }
0xce: {  	[sflag:s12] =	ssyncset.done $0x0  }
0xcf: {  	[sflag:s12] =	ssyncadd.s32 $0xFFFFF000  }
0xd0: {  	s0 =	rddreg [dreg:$0x4];
	s1 =	simm.s32 $0x19800  }
0xd1: {  	[hbm4b:s0+s3] =	stream.linear.scatter [tilespmem:s1], [sflag:$0x2], $0x40, $0x38;
	[tilespmem:$0x19880] =	vst v63  }
0xd2: {  	s30 =	sadd.s32 $0x1, s30;
	_ =	swait.ge [sflag:s12], $0x40  }
0xd3: {  	s31 =	simm.s32 $0x19840;
	p0 =	sne.s32 s30, s11;
	[sflag:s12] =	ssyncset.done $0x0  }
.Ltmp6:
0xd4: {  	s29 =	rddreg [dreg:$0x5];
	[sflag:s12] =	ssyncadd.s32 $0xFFFFFFC0;
	(pc) =	sbr.rel @p0 .LBB2_1-.Ltmp6, $4  }
0xd5: {  	[hbm4b:s29+s3] =	stream.linear.scatter [tilespmem:s31], [sflag:$0x2], $0x40, $0x38;
	[tilespmem:$0x19880] =	vst v63  }
0xd6: {  	_ =	swait.ge [sflag:s12], $0x40  }
0xd7: {  	[sflag:s12] =	ssyncset.done $0x0  }
0xd8: {  	[sflag:s12] =	ssyncadd.s32 $0xFFFFFFC0  }
0xd9: {  	_ =	sfence.sel $0x180000  }
0xda: {  	[bflag:$0x0] =	sbarrier.arrive $0xFFFF  }
0xdb: {  	_ =	strace $0x90000047  }
0xdc: {  	s0 =	stileid.u32;
	[bflag:$0x2] =	sbarrier.arrive $0xFFFF  }
0xdd: {  	p0 =	sne.s32 s0, $0x0;
	s0 =	rddreg [dreg:$0x2]  }
0xde: {  	s0 =	sadd.s32 @!p0 $0x100000, s0  }
0xdf: {  	[sflag:s0] =	ssyncadd.tile.s32 @!p0 $0x1;
	_ =	shalt  }
.Lfunc_end2:
_tile_overlayer_lowered:
.L_overlay_start_2:
0xe0: {  	(tag) =	ssettag $0x2  }
0xe1: {  	s0 =	rddreg [dreg:$0x0];
	s2 =	stileid.u32  }
0xe2: {  	s1 =	rddreg [dreg:$0x1];
	p0 =	sne.s32 s2, $0x0  }
0xe3: {  	s3 =	rddreg [dreg:$0x2];
	[bflag:$0x3] =	sbarrier.arrive $0xFFFF;
	s2 =	simm.s32 @!p0 $0x1C02  }
0xe4: {  	[timem:s3], [sflag:s2] =	dma.local @!p0 [hbm:s0], s1  }
0xe5: {  	s0 =	simm.s32 @!p0 $0x2  }
0xe6: {  	_ =	swait.ge @!p0 [sflag:s0], s1  }
0xe7: {  	s1 =	ssub.s32 @!p0 $0x0, s1;
	[sflag:s0] =	ssyncset.done @!p0 $0x0  }
0xe8: {  	[sflag:s0] =	ssyncadd.s32 @!p0 s1  }
0xe9: {  	[bflag:$0x3] =	sbarrier.arrive $0xFFFF  }
0xea: {  	_ =	shalt  }

</sc_bundles>
